<compile_context>
chip_gen: v7x
topology: tpu7x:2x2x1
jax: 0.10.2.dev20260603
libtpu: 0.0.44.dev20260713+nightly
codegen_flags: <defaults>
</compile_context>

<pallas_src>
import functools

import jax
import jax.numpy as jnp
from jax import lax
from jax.experimental import pallas as pl
from jax.experimental.pallas import tpu as pltpu
from jax.experimental.pallas import tpu_sc as plsc

N_NODES = 100000
IN_CH = 128
HID = 32
OUT_CH = 128
B = 8192
NS0 = 15
NS1 = 5

NC = 2
NSUB = 16
NW = NC * NSUB
TW = B // NW
CH = 8
NCHUNK = TW // CH
G0 = CH * NS0
G1 = CH * NS0 * NS1
GSUB = 120
G0T = TW * NS0
G1T = TW * NS0 * NS1

L = 16


def _proj_body(x_ref, w_ref, p_ref):
    p_ref[...] = jnp.dot(x_ref[...], w_ref[...],
                         preferred_element_type=jnp.float32)


def _out_body(hs_ref, w_ref, b_ref, o_ref):
    o_ref[...] = (
        jnp.dot(hs_ref[...], w_ref[...], preferred_element_type=jnp.float32)
        + b_ref[...]
    )


def _sc_body(t_hbm, nodes_hbm, n0_hbm, n1_hbm, b0_hbm, hs_hbm,
             idxn_v, idx0a_v, idx0n_v, idx1_v, asel_v, a0_v, n0_v, n1_v,
             b0_v, hs_v, sem):
    wid = lax.axis_index("s") * NC + lax.axis_index("c")

    pltpu.sync_copy(b0_hbm, b0_v)
    b0a = b0_v[pl.ds(0, L)]
    b0b = b0_v[pl.ds(L, L)]
    b0c = b0_v[pl.ds(2 * L, L)]
    b0d = b0_v[pl.ds(3 * L, L)]
    zero = jnp.zeros((L,), jnp.float32)

    def stage_all():
        t0 = wid * TW
        pltpu.sync_copy(nodes_hbm.at[pl.ds(pl.multiple_of(t0, TW), TW)], idxn_v)
        pltpu.sync_copy(n0_hbm.at[pl.ds(pl.multiple_of(t0 * NS0, G0T), G0T)],
                        idx0a_v)
        pltpu.sync_copy(n1_hbm.at[pl.ds(pl.multiple_of(t0 * NS0 * NS1, G1T), G1T)],
                        idx1_v)

        @plsc.parallel_loop(0, TW // L, unroll=2)
        def remap_n(i):
            idxn_v[pl.ds(i * L, L)] = idxn_v[pl.ds(i * L, L)] * 4

        @plsc.parallel_loop(0, G0T // L, unroll=4)
        def remap_0(i):
            v = idx0a_v[pl.ds(i * L, L)] * 4
            idx0n_v[pl.ds(i * L, L)] = v + 1
            idx0a_v[pl.ds(i * L, L)] = v

        @plsc.parallel_loop(0, G1T // L, unroll=4)
        def remap_1(i):
            idx1_v[pl.ds(i * L, L)] = idx1_v[pl.ds(i * L, L)] * 4 + 1

    def fire(ch, q):
        sln = pl.ds(pl.multiple_of(ch * CH, CH), CH)
        pltpu.async_copy(t_hbm.at[idxn_v.at[sln]], asel_v.at[q], sem.at[q])
        sl0 = pl.ds(pl.multiple_of(ch * G0, G0), G0)
        pltpu.async_copy(t_hbm.at[idx0a_v.at[sl0]], a0_v.at[q], sem.at[q])
        pltpu.async_copy(t_hbm.at[idx0n_v.at[sl0]], n0_v.at[q], sem.at[q])
        for g in range(G1 // GSUB):
            sl = pl.ds(pl.multiple_of(ch * G1, G1) + g * GSUB, GSUB)
            dst = pl.ds(g * GSUB, GSUB)
            pltpu.async_copy(t_hbm.at[idx1_v.at[sl]], n1_v.at[q, dst],
                             sem.at[q])

    def drain(p):
        pltpu.make_async_copy(t_hbm.at[pl.ds(0, CH)], asel_v.at[p],
                              sem.at[p]).wait()
        pltpu.make_async_copy(t_hbm.at[pl.ds(0, G0)], a0_v.at[p],
                              sem.at[p]).wait()
        pltpu.make_async_copy(t_hbm.at[pl.ds(0, G0)], n0_v.at[p],
                              sem.at[p]).wait()
        pltpu.make_async_copy(t_hbm.at[pl.ds(0, G1)], n1_v.at[p],
                              sem.at[p]).wait()

    def compute(ch, p):
        @plsc.parallel_loop(0, CH, unroll=2)
        def t_body(t):
            o = t * OUT_CH
            hs_v[pl.ds(o, L)] = jnp.maximum(asel_v[p, t, pl.ds(0, L)] + b0a, 0.0)
            hs_v[pl.ds(o + L, L)] = jnp.maximum(asel_v[p, t, pl.ds(L, L)] + b0b, 0.0)

            def r15(j, acc):
                r = t * NS0 + j
                ra = r * NS1
                m1a = (n1_v[p, ra, pl.ds(0, L)] + n1_v[p, ra + 1, pl.ds(0, L)]
                       + n1_v[p, ra + 2, pl.ds(0, L)] + n1_v[p, ra + 3, pl.ds(0, L)]
                       + n1_v[p, ra + 4, pl.ds(0, L)])
                m1b = (n1_v[p, ra, pl.ds(L, L)] + n1_v[p, ra + 1, pl.ds(L, L)]
                       + n1_v[p, ra + 2, pl.ds(L, L)] + n1_v[p, ra + 3, pl.ds(L, L)]
                       + n1_v[p, ra + 4, pl.ds(L, L)])
                return (acc[0] + n0_v[p, r, pl.ds(0, L)],
                        acc[1] + n0_v[p, r, pl.ds(L, L)],
                        acc[2] + jnp.maximum(a0_v[p, r, pl.ds(0, L)] + b0a, 0.0),
                        acc[3] + jnp.maximum(a0_v[p, r, pl.ds(L, L)] + b0b, 0.0),
                        acc[4] + jnp.maximum(m1a * (1.0 / NS1) + b0c, 0.0),
                        acc[5] + jnp.maximum(m1b * (1.0 / NS1) + b0d, 0.0))

            m0a, m0b, s0, s1, s2, s3 = lax.fori_loop(
                0, NS0, r15, (zero, zero, zero, zero, zero, zero))
            hs_v[pl.ds(o + 2 * L, L)] = jnp.maximum(m0a * (1.0 / NS0) + b0c, 0.0)
            hs_v[pl.ds(o + 3 * L, L)] = jnp.maximum(m0b * (1.0 / NS0) + b0d, 0.0)
            hs_v[pl.ds(o + 4 * L, L)] = s0 * (1.0 / NS0)
            hs_v[pl.ds(o + 5 * L, L)] = s1 * (1.0 / NS0)
            hs_v[pl.ds(o + 6 * L, L)] = s2 * (1.0 / NS0)
            hs_v[pl.ds(o + 7 * L, L)] = s3 * (1.0 / NS0)

        t0 = wid * TW + ch * CH
        pltpu.sync_copy(
            hs_v,
            hs_hbm.at[pl.ds(pl.multiple_of(t0 * OUT_CH, CH * OUT_CH), CH * OUT_CH)])

    stage_all()
    fire(0, 0)

    def loop_body(ch, _):
        p = lax.rem(ch, 2)
        q = 1 - p

        @pl.when(ch + 1 < NCHUNK)
        def _():
            fire(ch + 1, q)

        drain(p)
        compute(ch, p)
        return 0

    lax.fori_loop(0, NCHUNK, loop_body, 0)


_sc_gather = pl.kernel(
    _sc_body,
    out_type=jax.ShapeDtypeStruct((B * OUT_CH,), jnp.float32),
    mesh=plsc.VectorSubcoreMesh(
        core_axis_name="c", subcore_axis_name="s",
        num_cores=NC, num_subcores=NSUB),
    scratch_types=[
        pltpu.VMEM((TW,), jnp.int32),
        pltpu.VMEM((G0T,), jnp.int32),
        pltpu.VMEM((G0T,), jnp.int32),
        pltpu.VMEM((G1T,), jnp.int32),
        pltpu.VMEM((2, CH, HID), jnp.float32),
        pltpu.VMEM((2, G0, HID), jnp.float32),
        pltpu.VMEM((2, G0, HID), jnp.float32),
        pltpu.VMEM((2, G1, HID), jnp.float32),
        pltpu.VMEM((4 * L,), jnp.float32),
        pltpu.VMEM((CH * OUT_CH,), jnp.float32),
        pltpu.SemaphoreType.DMA((2,)),
    ],
    compiler_params=pltpu.CompilerParams(use_tc_tiling_on_sc=False),
)


def kernel(x, nodes, neighbors_0, neighbors_1, Ws0, Wn0, b0, Ws1, Wn1, b1):
    assert x.shape == (N_NODES, IN_CH) and nodes.shape == (B,)
    assert neighbors_0.shape == (B * NS0,)
    assert neighbors_1.shape == (B * NS0 * NS1,)

    w4 = jnp.concatenate([Ws0, Wn0, Ws0, Wn0], axis=1)
    rows = 10000
    p_tab = pl.pallas_call(
        _proj_body,
        grid=(N_NODES // rows,),
        in_specs=[
            pl.BlockSpec((rows, IN_CH), lambda i: (i, 0)),
            pl.BlockSpec((IN_CH, 4 * HID), lambda i: (0, 0)),
        ],
        out_specs=pl.BlockSpec((rows, 4 * HID), lambda i: (i, 0)),
        out_shape=jax.ShapeDtypeStruct((N_NODES, 4 * HID), jnp.float32),
    )(x, w4)
    t_tab = p_tab.reshape(4 * N_NODES, HID)

    hs = _sc_gather(t_tab, nodes, neighbors_0, neighbors_1, b0)
    hs = hs.reshape(B, OUT_CH)

    w1 = jnp.concatenate([Ws1, Wn1], axis=0)
    rows2 = 1024
    out = pl.pallas_call(
        _out_body,
        grid=(B // rows2,),
        in_specs=[
            pl.BlockSpec((rows2, OUT_CH), lambda i: (i, 0)),
            pl.BlockSpec((4 * HID, OUT_CH), lambda i: (0, 0)),
            pl.BlockSpec((1, OUT_CH), lambda i: (0, 0)),
        ],
        out_specs=pl.BlockSpec((rows2, OUT_CH), lambda i: (i, 0)),
        out_shape=jax.ShapeDtypeStruct((B, OUT_CH), jnp.float32),
    )(hs, w1, b1.reshape(1, OUT_CH))
    return out

# --- scband reference (transcript-rebuilt; emitter-appended) ---
"""Pipeline reference for scband-graph-sage-40484361732248 (READ-ONLY COPY).

The authoritative reference and input builder live on the scoring server;
editing this copy changes nothing except your own understanding.
"""

import jax, jax.numpy as jnp
import numpy as np

N_NODES = 100000
IN_CH = 128
HID = 32
OUT_CH = 128
B = 8192
NS = [15, 5]


def setup_inputs(seed: int = 0) -> dict:
    key = jax.random.key(seed)
    ks = jax.random.split(key, 12)
    x = jax.random.normal(ks[0], (N_NODES, IN_CH), dtype=jnp.float32)
    nodes = jax.random.randint(ks[1], (B,), 0, N_NODES, dtype=jnp.int32)
    neighbors_0 = jax.random.randint(ks[2], (B * NS[0],), 0, N_NODES, dtype=jnp.int32)
    neighbors_1 = jax.random.randint(ks[3], (B * NS[0] * NS[1],), 0, N_NODES, dtype=jnp.int32)
    # MeanAggregator 0: units=HID, concat=True -> output dim 2*HID, relu
    Ws0 = jax.random.normal(ks[4], (IN_CH, HID), dtype=jnp.float32) * (1.0 / np.sqrt(IN_CH))
    Wn0 = jax.random.normal(ks[5], (IN_CH, HID), dtype=jnp.float32) * (1.0 / np.sqrt(IN_CH))
    b0 = jnp.zeros((2 * HID,), dtype=jnp.float32)
    # MeanAggregator 1: units=OUT_CH, concat=False -> output dim OUT_CH, linear
    Ws1 = jax.random.normal(ks[6], (2 * HID, OUT_CH), dtype=jnp.float32) * (1.0 / np.sqrt(2 * HID))
    Wn1 = jax.random.normal(ks[7], (2 * HID, OUT_CH), dtype=jnp.float32) * (1.0 / np.sqrt(2 * HID))
    b1 = jnp.zeros((OUT_CH,), dtype=jnp.float32)
    return {"x": x, "nodes": nodes, "neighbors_0": neighbors_0, "neighbors_1": neighbors_1,
            "Ws0": Ws0, "Wn0": Wn0, "b0": b0, "Ws1": Ws1, "Wn1": Wn1, "b1": b1}


def _mean_agg_concat(self_feat, neigh_feat, Ws, Wn, b):
    # neigh_feat: [n, n_samples, d] -> mean over sampled neighbors
    neigh_mean = jnp.mean(neigh_feat, axis=1)
    out = jnp.concatenate([self_feat @ Ws, neigh_mean @ Wn], axis=1) + b
    return jax.nn.relu(out)


def _mean_agg_add(self_feat, neigh_feat, Ws, Wn, b):
    neigh_mean = jnp.mean(neigh_feat, axis=1)
    return self_feat @ Ws + neigh_mean @ Wn + b  # linear activation


def reference(x, nodes, neighbors_0, neighbors_1, Ws0, Wn0, b0, Ws1, Wn1, b1):
    # embedding lookups (SparseCore gathers)
    h0 = jnp.take(x, nodes, axis=0)          # [B, IN_CH]
    h1 = jnp.take(x, neighbors_0, axis=0)    # [B*15, IN_CH]
    h2 = jnp.take(x, neighbors_1, axis=0)    # [B*15*5, IN_CH]
    # aggregator 0 (inference: dropout is identity)
    new_h0 = _mean_agg_concat(h0, h1.reshape(-1, NS[0], IN_CH), Ws0, Wn0, b0)  # [B, 2*HID]
    new_h1 = _mean_agg_concat(h1, h2.reshape(-1, NS[1], IN_CH), Ws0, Wn0, b0)  # [B*15, 2*HID]
    # aggregator 1
    out = _mean_agg_add(new_h0, new_h1.reshape(-1, NS[0], 2 * HID), Ws1, Wn1, b1)  # [B, OUT_CH]
    return out

if __name__ == "__main__":
    import jax
    _d = setup_inputs()
    print(jax.jit(kernel)(*tuple(_d.values())))

</pallas_src>

<mosaic_0001>
#map = affine_map<(d0, d1) -> (0, 0)>
#map1 = affine_map<(d0, d1) -> (0)>
module attributes {stable_mosaic.version = 14 : i64} {
  func.func @_sc_body(%arg0: i32, %arg1: i32, %arg2: memref<400000x32xf32, #tpu.memory_space<hbm>>, %arg3: memref<8192xi32, #tpu.memory_space<hbm>>, %arg4: memref<122880xi32, #tpu.memory_space<hbm>>, %arg5: memref<614400xi32, #tpu.memory_space<hbm>>, %arg6: memref<64xf32, #tpu.memory_space<hbm>>, %arg7: memref<1048576xf32, #tpu.memory_space<hbm>>, %arg8: memref<256xi32, #tpu.memory_space<vmem>>, %arg9: memref<3840xi32, #tpu.memory_space<vmem>>, %arg10: memref<3840xi32, #tpu.memory_space<vmem>>, %arg11: memref<19200xi32, #tpu.memory_space<vmem>>, %arg12: memref<2x8x32xf32, #tpu.memory_space<vmem>>, %arg13: memref<2x120x32xf32, #tpu.memory_space<vmem>>, %arg14: memref<2x120x32xf32, #tpu.memory_space<vmem>>, %arg15: memref<2x600x32xf32, #tpu.memory_space<vmem>>, %arg16: memref<64xf32, #tpu.memory_space<vmem>>, %arg17: memref<1024xf32, #tpu.memory_space<vmem>>, %arg18: memref<2x!tpu.dma_semaphore, #tpu.memory_space<semaphore_mem>>) attributes {dimension_semantics = [#tpu.dimension_semantics<core_parallel>, #tpu.dimension_semantics<subcore_parallel>], iteration_bounds = array<i64: 2, 16>, scalar_prefetch = 0 : i64, scratch_operands = 11 : i64, tpu.core_type = #tpu.core_type<sc_vector_subcore>, window_params = [{transform_indices = #map}, {transform_indices = #map1}, {transform_indices = #map1}, {transform_indices = #map1}, {transform_indices = #map1}, {transform_indices = #map1}]} {
    %mul3A = arith.constant 2 : i32
    %mul3A_0 = arith.muli %arg1, %mul3A : i32
    %add3A = arith.addi %mul3A_0, %arg0 : i32
    "tpu.region"() ({
      %run_scoped3A = tpu.sem_alloc : memref<!tpu.dma_semaphore, #tpu.memory_space<semaphore_mem>>
      tpu.enqueue_dma source(%arg6 : memref<64xf32, #tpu.memory_space<hbm>>) target(%arg16 : memref<64xf32, #tpu.memory_space<vmem>>) target_semaphore(%run_scoped3A : memref<!tpu.dma_semaphore, #tpu.memory_space<semaphore_mem>>)
      tpu.wait_dma2 semaphore(%run_scoped3A : memref<!tpu.dma_semaphore, #tpu.memory_space<semaphore_mem>>) src(%arg6 : memref<64xf32, #tpu.memory_space<hbm>>) dst(%arg16 : memref<64xf32, #tpu.memory_space<vmem>>)
      tpu.yield
    }) : () -> ()
    %get3A = arith.constant 0 : index
    %get3A_1 = tpu.vector_load %arg16[%get3A] {strides = array<i32>} : memref<64xf32, #tpu.memory_space<vmem>>, vector<16xf32>,
    %get3A_2 = vector.shape_cast %get3A_1 : vector<16xf32> to vector<16xf32>
    %get3A_3 = arith.constant 16 : index
    %get3A_4 = tpu.vector_load %arg16[%get3A_3] {strides = array<i32>} : memref<64xf32, #tpu.memory_space<vmem>>, vector<16xf32>,
    %get3A_5 = vector.shape_cast %get3A_4 : vector<16xf32> to vector<16xf32>
    %get3A_6 = arith.constant 32 : index
    %get3A_7 = tpu.vector_load %arg16[%get3A_6] {strides = array<i32>} : memref<64xf32, #tpu.memory_space<vmem>>, vector<16xf32>,
    %get3A_8 = vector.shape_cast %get3A_7 : vector<16xf32> to vector<16xf32>
    %get3A_9 = arith.constant 48 : index
    %get3A_10 = tpu.vector_load %arg16[%get3A_9] {strides = array<i32>} : memref<64xf32, #tpu.memory_space<vmem>>, vector<16xf32>,
    %get3A_11 = vector.shape_cast %get3A_10 : vector<16xf32> to vector<16xf32>
    %broadcast_in_dim3A = arith.constant 0.000000e+00 : f32
    %broadcast_in_dim3A_12 = vector.broadcast %broadcast_in_dim3A : f32 to vector<16xf32>
    %mul3A_13 = arith.constant 256 : i32
    %mul3A_14 = arith.muli %add3A, %mul3A_13 : i32
    %multiple_of3A = tpu.assume_multiple %mul3A_14, 256 : i32
    "tpu.region"() ({
      %run_scoped3A = tpu.sem_alloc : memref<!tpu.dma_semaphore, #tpu.memory_space<semaphore_mem>>
      %dma_start3A_156 = tpu.memref_slice %arg3[%multiple_of3A] : memref<8192xi32, #tpu.memory_space<hbm>> -> memref<256xi32, #tpu.memory_space<hbm>>
      %dma_start3A_157 = tpu.memref_slice %arg3[%multiple_of3A] : memref<8192xi32, #tpu.memory_space<hbm>> -> memref<256xi32, #tpu.memory_space<hbm>>
      tpu.enqueue_dma source(%dma_start3A_157 : memref<256xi32, #tpu.memory_space<hbm>>) target(%arg8 : memref<256xi32, #tpu.memory_space<vmem>>) target_semaphore(%run_scoped3A : memref<!tpu.dma_semaphore, #tpu.memory_space<semaphore_mem>>)
      %dma_wait3A = tpu.memref_slice %arg3[%multiple_of3A] : memref<8192xi32, #tpu.memory_space<hbm>> -> memref<256xi32, #tpu.memory_space<hbm>>
      %dma_wait3A_158 = tpu.memref_slice %arg3[%multiple_of3A] : memref<8192xi32, #tpu.memory_space<hbm>> -> memref<256xi32, #tpu.memory_space<hbm>>
      tpu.wait_dma2 semaphore(%run_scoped3A : memref<!tpu.dma_semaphore, #tpu.memory_space<semaphore_mem>>) src(%dma_wait3A_158 : memref<256xi32, #tpu.memory_space<hbm>>) dst(%arg8 : memref<256xi32, #tpu.memory_space<vmem>>)
      tpu.yield
    }) : () -> ()
    %mul3A_15 = arith.constant 15 : i32
    %mul3A_16 = arith.muli %mul3A_14, %mul3A_15 : i32
    %multiple_of3A_17 = tpu.assume_multiple %mul3A_16, 3840 : i32
    "tpu.region"() ({
      %run_scoped3A = tpu.sem_alloc : memref<!tpu.dma_semaphore, #tpu.memory_space<semaphore_mem>>
      %dma_start3A_156 = tpu.memref_slice %arg4[%multiple_of3A_17] : memref<122880xi32, #tpu.memory_space<hbm>> -> memref<3840xi32, #tpu.memory_space<hbm>>
      %dma_start3A_157 = tpu.memref_slice %arg4[%multiple_of3A_17] : memref<122880xi32, #tpu.memory_space<hbm>> -> memref<3840xi32, #tpu.memory_space<hbm>>
      tpu.enqueue_dma source(%dma_start3A_157 : memref<3840xi32, #tpu.memory_space<hbm>>) target(%arg9 : memref<3840xi32, #tpu.memory_space<vmem>>) target_semaphore(%run_scoped3A : memref<!tpu.dma_semaphore, #tpu.memory_space<semaphore_mem>>)
      %dma_wait3A = tpu.memref_slice %arg4[%multiple_of3A_17] : memref<122880xi32, #tpu.memory_space<hbm>> -> memref<3840xi32, #tpu.memory_space<hbm>>
      %dma_wait3A_158 = tpu.memref_slice %arg4[%multiple_of3A_17] : memref<122880xi32, #tpu.memory_space<hbm>> -> memref<3840xi32, #tpu.memory_space<hbm>>
      tpu.wait_dma2 semaphore(%run_scoped3A : memref<!tpu.dma_semaphore, #tpu.memory_space<semaphore_mem>>) src(%dma_wait3A_158 : memref<3840xi32, #tpu.memory_space<hbm>>) dst(%arg9 : memref<3840xi32, #tpu.memory_space<vmem>>)
      tpu.yield
    }) : () -> ()
    %mul3A_18 = arith.constant 15 : i32
    %mul3A_19 = arith.muli %mul3A_14, %mul3A_18 : i32
    %mul3A_20 = arith.constant 5 : i32
    %mul3A_21 = arith.muli %mul3A_19, %mul3A_20 : i32
    %multiple_of3A_22 = tpu.assume_multiple %mul3A_21, 19200 : i32
    "tpu.region"() ({
      %run_scoped3A = tpu.sem_alloc : memref<!tpu.dma_semaphore, #tpu.memory_space<semaphore_mem>>
      %dma_start3A_156 = tpu.memref_slice %arg5[%multiple_of3A_22] : memref<614400xi32, #tpu.memory_space<hbm>> -> memref<19200xi32, #tpu.memory_space<hbm>>
      %dma_start3A_157 = tpu.memref_slice %arg5[%multiple_of3A_22] : memref<614400xi32, #tpu.memory_space<hbm>> -> memref<19200xi32, #tpu.memory_space<hbm>>
      tpu.enqueue_dma source(%dma_start3A_157 : memref<19200xi32, #tpu.memory_space<hbm>>) target(%arg11 : memref<19200xi32, #tpu.memory_space<vmem>>) target_semaphore(%run_scoped3A : memref<!tpu.dma_semaphore, #tpu.memory_space<semaphore_mem>>)
      %dma_wait3A = tpu.memref_slice %arg5[%multiple_of3A_22] : memref<614400xi32, #tpu.memory_space<hbm>> -> memref<19200xi32, #tpu.memory_space<hbm>>
      %dma_wait3A_158 = tpu.memref_slice %arg5[%multiple_of3A_22] : memref<614400xi32, #tpu.memory_space<hbm>> -> memref<19200xi32, #tpu.memory_space<hbm>>
      tpu.wait_dma2 semaphore(%run_scoped3A : memref<!tpu.dma_semaphore, #tpu.memory_space<semaphore_mem>>) src(%dma_wait3A_158 : memref<19200xi32, #tpu.memory_space<hbm>>) dst(%arg11 : memref<19200xi32, #tpu.memory_space<vmem>>)
      tpu.yield
    }) : () -> ()
    %parallel_loop3A = arith.constant 0 : i32
    %parallel_loop3A_23 = arith.constant 16 : i32
    %parallel_loop3A_24 = arith.constant 1 : i32
    scf.for %parallel_loop3A_156 = %parallel_loop3A to %parallel_loop3A_23 step %parallel_loop3A_24  : i32 {
      %parallel_loop3A_157 = arith.constant 16 : i32
      %parallel_loop3A_158 = arith.muli %parallel_loop3A_156, %parallel_loop3A_157 : i32
      %parallel_loop3A_159 = arith.index_cast %parallel_loop3A_158 : i32 to index
      %parallel_loop3A_160 = tpu.vector_load %arg8[%parallel_loop3A_159] {strides = array<i32>} : memref<256xi32, #tpu.memory_space<vmem>>, vector<16xi32>,
      %parallel_loop3A_161 = vector.shape_cast %parallel_loop3A_160 : vector<16xi32> to vector<16xi32>
      %parallel_loop3A_162 = arith.constant 4 : i32
      %parallel_loop3A_163 = vector.broadcast %parallel_loop3A_162 : i32 to vector<16xi32>
      %parallel_loop3A_164 = arith.muli %parallel_loop3A_161, %parallel_loop3A_163 : vector<16xi32>
      %parallel_loop3A_165 = arith.constant 16 : i32
      %parallel_loop3A_166 = arith.muli %parallel_loop3A_156, %parallel_loop3A_165 : i32
      %parallel_loop3A_167 = arith.index_cast %parallel_loop3A_166 : i32 to index
      %parallel_loop3A_168 = tpu.vector_load %arg8[%parallel_loop3A_167] {strides = array<i32>} : memref<256xi32, #tpu.memory_space<vmem>>, vector<16xi32>,
      %parallel_loop3A_169 = vector.shape_cast %parallel_loop3A_168 : vector<16xi32> to vector<16xi32>
      %parallel_loop3A_170 = vector.shape_cast %parallel_loop3A_164 : vector<16xi32> to vector<16xi32>
      tpu.vector_store %arg8[%parallel_loop3A_167], %parallel_loop3A_170 {strides = array<i32>} : memref<256xi32, #tpu.memory_space<vmem>>, vector<16xi32>,
    } {sc.loop_unroll_factor = 2 : i64, sc.parallel_access}
    %parallel_loop3A_25 = arith.constant 0 : i32
    %parallel_loop3A_26 = arith.constant 240 : i32
    %parallel_loop3A_27 = arith.constant 1 : i32
    scf.for %parallel_loop3A_156 = %parallel_loop3A_25 to %parallel_loop3A_26 step %parallel_loop3A_27  : i32 {
      %parallel_loop3A_157 = arith.constant 16 : i32
      %parallel_loop3A_158 = arith.muli %parallel_loop3A_156, %parallel_loop3A_157 : i32
      %parallel_loop3A_159 = arith.index_cast %parallel_loop3A_158 : i32 to index
      %parallel_loop3A_160 = tpu.vector_load %arg9[%parallel_loop3A_159] {strides = array<i32>} : memref<3840xi32, #tpu.memory_space<vmem>>, vector<16xi32>,
      %parallel_loop3A_161 = vector.shape_cast %parallel_loop3A_160 : vector<16xi32> to vector<16xi32>
      %parallel_loop3A_162 = arith.constant 4 : i32
      %parallel_loop3A_163 = vector.broadcast %parallel_loop3A_162 : i32 to vector<16xi32>
      %parallel_loop3A_164 = arith.muli %parallel_loop3A_161, %parallel_loop3A_163 : vector<16xi32>
      %parallel_loop3A_165 = arith.constant 1 : i32
      %parallel_loop3A_166 = vector.broadcast %parallel_loop3A_165 : i32 to vector<16xi32>
      %parallel_loop3A_167 = arith.addi %parallel_loop3A_164, %parallel_loop3A_166 : vector<16xi32>
      %parallel_loop3A_168 = arith.constant 16 : i32
      %parallel_loop3A_169 = arith.muli %parallel_loop3A_156, %parallel_loop3A_168 : i32
      %parallel_loop3A_170 = arith.index_cast %parallel_loop3A_169 : i32 to index
      %parallel_loop3A_171 = tpu.vector_load %arg10[%parallel_loop3A_170] {strides = array<i32>} : memref<3840xi32, #tpu.memory_space<vmem>>, vector<16xi32>,
      %parallel_loop3A_172 = vector.shape_cast %parallel_loop3A_171 : vector<16xi32> to vector<16xi32>
      %parallel_loop3A_173 = vector.shape_cast %parallel_loop3A_167 : vector<16xi32> to vector<16xi32>
      tpu.vector_store %arg10[%parallel_loop3A_170], %parallel_loop3A_173 {strides = array<i32>} : memref<3840xi32, #tpu.memory_space<vmem>>, vector<16xi32>,
      %parallel_loop3A_174 = arith.constant 16 : i32
      %parallel_loop3A_175 = arith.muli %parallel_loop3A_156, %parallel_loop3A_174 : i32
      %parallel_loop3A_176 = arith.index_cast %parallel_loop3A_175 : i32 to index
      %parallel_loop3A_177 = tpu.vector_load %arg9[%parallel_loop3A_176] {strides = array<i32>} : memref<3840xi32, #tpu.memory_space<vmem>>, vector<16xi32>,
      %parallel_loop3A_178 = vector.shape_cast %parallel_loop3A_177 : vector<16xi32> to vector<16xi32>
      %parallel_loop3A_179 = vector.shape_cast %parallel_loop3A_164 : vector<16xi32> to vector<16xi32>
      tpu.vector_store %arg9[%parallel_loop3A_176], %parallel_loop3A_179 {strides = array<i32>} : memref<3840xi32, #tpu.memory_space<vmem>>, vector<16xi32>,
    } {sc.loop_unroll_factor = 4 : i64, sc.parallel_access}
    %parallel_loop3A_28 = arith.constant 0 : i32
    %parallel_loop3A_29 = arith.constant 1200 : i32
    %parallel_loop3A_30 = arith.constant 1 : i32
    scf.for %parallel_loop3A_156 = %parallel_loop3A_28 to %parallel_loop3A_29 step %parallel_loop3A_30  : i32 {
      %parallel_loop3A_157 = arith.constant 16 : i32
      %parallel_loop3A_158 = arith.muli %parallel_loop3A_156, %parallel_loop3A_157 : i32
      %parallel_loop3A_159 = arith.index_cast %parallel_loop3A_158 : i32 to index
      %parallel_loop3A_160 = tpu.vector_load %arg11[%parallel_loop3A_159] {strides = array<i32>} : memref<19200xi32, #tpu.memory_space<vmem>>, vector<16xi32>,
      %parallel_loop3A_161 = vector.shape_cast %parallel_loop3A_160 : vector<16xi32> to vector<16xi32>
      %parallel_loop3A_162 = arith.constant 4 : i32
      %parallel_loop3A_163 = vector.broadcast %parallel_loop3A_162 : i32 to vector<16xi32>
      %parallel_loop3A_164 = arith.muli %parallel_loop3A_161, %parallel_loop3A_163 : vector<16xi32>
      %parallel_loop3A_165 = arith.constant 1 : i32
      %parallel_loop3A_166 = vector.broadcast %parallel_loop3A_165 : i32 to vector<16xi32>
      %parallel_loop3A_167 = arith.addi %parallel_loop3A_164, %parallel_loop3A_166 : vector<16xi32>
      %parallel_loop3A_168 = arith.constant 16 : i32
      %parallel_loop3A_169 = arith.muli %parallel_loop3A_156, %parallel_loop3A_168 : i32
      %parallel_loop3A_170 = arith.index_cast %parallel_loop3A_169 : i32 to index
      %parallel_loop3A_171 = tpu.vector_load %arg11[%parallel_loop3A_170] {strides = array<i32>} : memref<19200xi32, #tpu.memory_space<vmem>>, vector<16xi32>,
      %parallel_loop3A_172 = vector.shape_cast %parallel_loop3A_171 : vector<16xi32> to vector<16xi32>
      %parallel_loop3A_173 = vector.shape_cast %parallel_loop3A_167 : vector<16xi32> to vector<16xi32>
      tpu.vector_store %arg11[%parallel_loop3A_170], %parallel_loop3A_173 {strides = array<i32>} : memref<19200xi32, #tpu.memory_space<vmem>>, vector<16xi32>,
    } {sc.loop_unroll_factor = 4 : i64, sc.parallel_access}
    %multiple_of3A_31 = arith.constant 0 : i32
    %multiple_of3A_32 = tpu.assume_multiple %multiple_of3A_31, 8 : i32
    %dma_start3A = arith.constant 0 : i32
    %dma_start3A_33 = arith.constant 0 : i32
    %dma_start3A_34 = arith.constant 0 : i32
    %dma_start3A_35 = arith.constant 0 : i32
    %dma_start3A_36 = tpu.memref_slice %arg12[%dma_start3A, %dma_start3A_34, %dma_start3A_35] : memref<2x8x32xf32, #tpu.memory_space<vmem>> -> memref<1x8x32xf32, #tpu.memory_space<vmem>>
    %dma_start3A_37 = tpu.memref_squeeze %dma_start3A_36 : memref<1x8x32xf32, #tpu.memory_space<vmem>> -> memref<8x32xf32, #tpu.memory_space<vmem>>
    %dma_start3A_38 = tpu.memref_slice %arg8[%multiple_of3A_32] : memref<256xi32, #tpu.memory_space<vmem>> -> memref<8xi32, #tpu.memory_space<vmem>>
    %dma_start3A_39 = arith.constant 0 : i32
    %dma_start3A_40 = arith.constant 0 : i32
    %dma_start3A_41 = tpu.memref_slice %arg2[%dma_start3A_39, %dma_start3A_40] : memref<400000x32xf32, #tpu.memory_space<hbm>> -> memref<400000x32xf32, #tpu.memory_space<hbm>>
    %dma_start3A_42 = tpu.memref_slice %arg18[%dma_start3A_33] : memref<2x!tpu.dma_semaphore, #tpu.memory_space<semaphore_mem>> -> memref<1x!tpu.dma_semaphore, #tpu.memory_space<semaphore_mem>>
    %dma_start3A_43 = tpu.memref_squeeze %dma_start3A_42 : memref<1x!tpu.dma_semaphore, #tpu.memory_space<semaphore_mem>> -> memref<!tpu.dma_semaphore, #tpu.memory_space<semaphore_mem>>
    tpu.enqueue_indirect_dma source(%dma_start3A_41 : memref<400000x32xf32, #tpu.memory_space<hbm>>) target(%dma_start3A_37 : memref<8x32xf32, #tpu.memory_space<vmem>>) offsets(%dma_start3A_38 : memref<8xi32, #tpu.memory_space<vmem>>) semaphore(%dma_start3A_43 : memref<!tpu.dma_semaphore, #tpu.memory_space<semaphore_mem>>)
    %multiple_of3A_44 = arith.constant 0 : i32
    %multiple_of3A_45 = tpu.assume_multiple %multiple_of3A_44, 120 : i32
    %dma_start3A_46 = arith.constant 0 : i32
    %dma_start3A_47 = arith.constant 0 : i32
    %dma_start3A_48 = arith.constant 0 : i32
    %dma_start3A_49 = arith.constant 0 : i32
    %dma_start3A_50 = tpu.memref_slice %arg13[%dma_start3A_46, %dma_start3A_48, %dma_start3A_49] : memref<2x120x32xf32, #tpu.memory_space<vmem>> -> memref<1x120x32xf32, #tpu.memory_space<vmem>>
    %dma_start3A_51 = tpu.memref_squeeze %dma_start3A_50 : memref<1x120x32xf32, #tpu.memory_space<vmem>> -> memref<120x32xf32, #tpu.memory_space<vmem>>
    %dma_start3A_52 = tpu.memref_slice %arg9[%multiple_of3A_45] : memref<3840xi32, #tpu.memory_space<vmem>> -> memref<120xi32, #tpu.memory_space<vmem>>
    %dma_start3A_53 = arith.constant 0 : i32
    %dma_start3A_54 = arith.constant 0 : i32
    %dma_start3A_55 = tpu.memref_slice %arg2[%dma_start3A_53, %dma_start3A_54] : memref<400000x32xf32, #tpu.memory_space<hbm>> -> memref<400000x32xf32, #tpu.memory_space<hbm>>
    %dma_start3A_56 = tpu.memref_slice %arg18[%dma_start3A_47] : memref<2x!tpu.dma_semaphore, #tpu.memory_space<semaphore_mem>> -> memref<1x!tpu.dma_semaphore, #tpu.memory_space<semaphore_mem>>
    %dma_start3A_57 = tpu.memref_squeeze %dma_start3A_56 : memref<1x!tpu.dma_semaphore, #tpu.memory_space<semaphore_mem>> -> memref<!tpu.dma_semaphore, #tpu.memory_space<semaphore_mem>>
    tpu.enqueue_indirect_dma source(%dma_start3A_55 : memref<400000x32xf32, #tpu.memory_space<hbm>>) target(%dma_start3A_51 : memref<120x32xf32, #tpu.memory_space<vmem>>) offsets(%dma_start3A_52 : memref<120xi32, #tpu.memory_space<vmem>>) semaphore(%dma_start3A_57 : memref<!tpu.dma_semaphore, #tpu.memory_space<semaphore_mem>>)
    %dma_start3A_58 = arith.constant 0 : i32
    %dma_start3A_59 = arith.constant 0 : i32
    %dma_start3A_60 = arith.constant 0 : i32
    %dma_start3A_61 = arith.constant 0 : i32
    %dma_start3A_62 = tpu.memref_slice %arg14[%dma_start3A_58, %dma_start3A_60, %dma_start3A_61] : memref<2x120x32xf32, #tpu.memory_space<vmem>> -> memref<1x120x32xf32, #tpu.memory_space<vmem>>
    %dma_start3A_63 = tpu.memref_squeeze %dma_start3A_62 : memref<1x120x32xf32, #tpu.memory_space<vmem>> -> memref<120x32xf32, #tpu.memory_space<vmem>>
    %dma_start3A_64 = tpu.memref_slice %arg10[%multiple_of3A_45] : memref<3840xi32, #tpu.memory_space<vmem>> -> memref<120xi32, #tpu.memory_space<vmem>>
    %dma_start3A_65 = arith.constant 0 : i32
    %dma_start3A_66 = arith.constant 0 : i32
    %dma_start3A_67 = tpu.memref_slice %arg2[%dma_start3A_65, %dma_start3A_66] : memref<400000x32xf32, #tpu.memory_space<hbm>> -> memref<400000x32xf32, #tpu.memory_space<hbm>>
    %dma_start3A_68 = tpu.memref_slice %arg18[%dma_start3A_59] : memref<2x!tpu.dma_semaphore, #tpu.memory_space<semaphore_mem>> -> memref<1x!tpu.dma_semaphore, #tpu.memory_space<semaphore_mem>>
    %dma_start3A_69 = tpu.memref_squeeze %dma_start3A_68 : memref<1x!tpu.dma_semaphore, #tpu.memory_space<semaphore_mem>> -> memref<!tpu.dma_semaphore, #tpu.memory_space<semaphore_mem>>
    tpu.enqueue_indirect_dma source(%dma_start3A_67 : memref<400000x32xf32, #tpu.memory_space<hbm>>) target(%dma_start3A_63 : memref<120x32xf32, #tpu.memory_space<vmem>>) offsets(%dma_start3A_64 : memref<120xi32, #tpu.memory_space<vmem>>) semaphore(%dma_start3A_69 : memref<!tpu.dma_semaphore, #tpu.memory_space<semaphore_mem>>)
    %multiple_of3A_70 = arith.constant 0 : i32
    %multiple_of3A_71 = tpu.assume_multiple %multiple_of3A_70, 600 : i32
    %add3A_72 = arith.constant 0 : i32
    %add3A_73 = arith.addi %multiple_of3A_71, %add3A_72 : i32
    %dma_start3A_74 = arith.constant 0 : i32
    %dma_start3A_75 = arith.constant 0 : i32
    %dma_start3A_76 = arith.constant 0 : i32
    %dma_start3A_77 = arith.constant 0 : i32
    %dma_start3A_78 = tpu.memref_slice %arg15[%dma_start3A_74, %dma_start3A_76, %dma_start3A_77] : memref<2x600x32xf32, #tpu.memory_space<vmem>> -> memref<1x120x32xf32, #tpu.memory_space<vmem>>
    %dma_start3A_79 = tpu.memref_squeeze %dma_start3A_78 : memref<1x120x32xf32, #tpu.memory_space<vmem>> -> memref<120x32xf32, #tpu.memory_space<vmem>>
    %dma_start3A_80 = tpu.memref_slice %arg11[%add3A_73] : memref<19200xi32, #tpu.memory_space<vmem>> -> memref<120xi32, #tpu.memory_space<vmem>>
    %dma_start3A_81 = arith.constant 0 : i32
    %dma_start3A_82 = arith.constant 0 : i32
    %dma_start3A_83 = tpu.memref_slice %arg2[%dma_start3A_81, %dma_start3A_82] : memref<400000x32xf32, #tpu.memory_space<hbm>> -> memref<400000x32xf32, #tpu.memory_space<hbm>>
    %dma_start3A_84 = tpu.memref_slice %arg18[%dma_start3A_75] : memref<2x!tpu.dma_semaphore, #tpu.memory_space<semaphore_mem>> -> memref<1x!tpu.dma_semaphore, #tpu.memory_space<semaphore_mem>>
    %dma_start3A_85 = tpu.memref_squeeze %dma_start3A_84 : memref<1x!tpu.dma_semaphore, #tpu.memory_space<semaphore_mem>> -> memref<!tpu.dma_semaphore, #tpu.memory_space<semaphore_mem>>
    tpu.enqueue_indirect_dma source(%dma_start3A_83 : memref<400000x32xf32, #tpu.memory_space<hbm>>) target(%dma_start3A_79 : memref<120x32xf32, #tpu.memory_space<vmem>>) offsets(%dma_start3A_80 : memref<120xi32, #tpu.memory_space<vmem>>) semaphore(%dma_start3A_85 : memref<!tpu.dma_semaphore, #tpu.memory_space<semaphore_mem>>)
    %multiple_of3A_86 = arith.constant 0 : i32
    %multiple_of3A_87 = tpu.assume_multiple %multiple_of3A_86, 600 : i32
    %add3A_88 = arith.constant 120 : i32
    %add3A_89 = arith.addi %multiple_of3A_87, %add3A_88 : i32
    %dma_start3A_90 = arith.constant 0 : i32
    %dma_start3A_91 = arith.constant 0 : i32
    %dma_start3A_92 = arith.constant 120 : i32
    %dma_start3A_93 = arith.constant 0 : i32
    %dma_start3A_94 = tpu.memref_slice %arg15[%dma_start3A_90, %dma_start3A_92, %dma_start3A_93] : memref<2x600x32xf32, #tpu.memory_space<vmem>> -> memref<1x120x32xf32, #tpu.memory_space<vmem>>
    %dma_start3A_95 = tpu.memref_squeeze %dma_start3A_94 : memref<1x120x32xf32, #tpu.memory_space<vmem>> -> memref<120x32xf32, #tpu.memory_space<vmem>>
    %dma_start3A_96 = tpu.memref_slice %arg11[%add3A_89] : memref<19200xi32, #tpu.memory_space<vmem>> -> memref<120xi32, #tpu.memory_space<vmem>>
    %dma_start3A_97 = arith.constant 0 : i32
    %dma_start3A_98 = arith.constant 0 : i32
    %dma_start3A_99 = tpu.memref_slice %arg2[%dma_start3A_97, %dma_start3A_98] : memref<400000x32xf32, #tpu.memory_space<hbm>> -> memref<400000x32xf32, #tpu.memory_space<hbm>>
    %dma_start3A_100 = tpu.memref_slice %arg18[%dma_start3A_91] : memref<2x!tpu.dma_semaphore, #tpu.memory_space<semaphore_mem>> -> memref<1x!tpu.dma_semaphore, #tpu.memory_space<semaphore_mem>>
    %dma_start3A_101 = tpu.memref_squeeze %dma_start3A_100 : memref<1x!tpu.dma_semaphore, #tpu.memory_space<semaphore_mem>> -> memref<!tpu.dma_semaphore, #tpu.memory_space<semaphore_mem>>
    tpu.enqueue_indirect_dma source(%dma_start3A_99 : memref<400000x32xf32, #tpu.memory_space<hbm>>) target(%dma_start3A_95 : memref<120x32xf32, #tpu.memory_space<vmem>>) offsets(%dma_start3A_96 : memref<120xi32, #tpu.memory_space<vmem>>) semaphore(%dma_start3A_101 : memref<!tpu.dma_semaphore, #tpu.memory_space<semaphore_mem>>)
    %multiple_of3A_102 = arith.constant 0 : i32
    %multiple_of3A_103 = tpu.assume_multiple %multiple_of3A_102, 600 : i32
    %add3A_104 = arith.constant 240 : i32
    %add3A_105 = arith.addi %multiple_of3A_103, %add3A_104 : i32
    %dma_start3A_106 = arith.constant 0 : i32
    %dma_start3A_107 = arith.constant 0 : i32
    %dma_start3A_108 = arith.constant 240 : i32
    %dma_start3A_109 = arith.constant 0 : i32
    %dma_start3A_110 = tpu.memref_slice %arg15[%dma_start3A_106, %dma_start3A_108, %dma_start3A_109] : memref<2x600x32xf32, #tpu.memory_space<vmem>> -> memref<1x120x32xf32, #tpu.memory_space<vmem>>
    %dma_start3A_111 = tpu.memref_squeeze %dma_start3A_110 : memref<1x120x32xf32, #tpu.memory_space<vmem>> -> memref<120x32xf32, #tpu.memory_space<vmem>>
    %dma_start3A_112 = tpu.memref_slice %arg11[%add3A_105] : memref<19200xi32, #tpu.memory_space<vmem>> -> memref<120xi32, #tpu.memory_space<vmem>>
    %dma_start3A_113 = arith.constant 0 : i32
    %dma_start3A_114 = arith.constant 0 : i32
    %dma_start3A_115 = tpu.memref_slice %arg2[%dma_start3A_113, %dma_start3A_114] : memref<400000x32xf32, #tpu.memory_space<hbm>> -> memref<400000x32xf32, #tpu.memory_space<hbm>>
    %dma_start3A_116 = tpu.memref_slice %arg18[%dma_start3A_107] : memref<2x!tpu.dma_semaphore, #tpu.memory_space<semaphore_mem>> -> memref<1x!tpu.dma_semaphore, #tpu.memory_space<semaphore_mem>>
    %dma_start3A_117 = tpu.memref_squeeze %dma_start3A_116 : memref<1x!tpu.dma_semaphore, #tpu.memory_space<semaphore_mem>> -> memref<!tpu.dma_semaphore, #tpu.memory_space<semaphore_mem>>
    tpu.enqueue_indirect_dma source(%dma_start3A_115 : memref<400000x32xf32, #tpu.memory_space<hbm>>) target(%dma_start3A_111 : memref<120x32xf32, #tpu.memory_space<vmem>>) offsets(%dma_start3A_112 : memref<120xi32, #tpu.memory_space<vmem>>) semaphore(%dma_start3A_117 : memref<!tpu.dma_semaphore, #tpu.memory_space<semaphore_mem>>)
    %multiple_of3A_118 = arith.constant 0 : i32
    %multiple_of3A_119 = tpu.assume_multiple %multiple_of3A_118, 600 : i32
    %add3A_120 = arith.constant 360 : i32
    %add3A_121 = arith.addi %multiple_of3A_119, %add3A_120 : i32
    %dma_start3A_122 = arith.constant 0 : i32
    %dma_start3A_123 = arith.constant 0 : i32
    %dma_start3A_124 = arith.constant 360 : i32
    %dma_start3A_125 = arith.constant 0 : i32
    %dma_start3A_126 = tpu.memref_slice %arg15[%dma_start3A_122, %dma_start3A_124, %dma_start3A_125] : memref<2x600x32xf32, #tpu.memory_space<vmem>> -> memref<1x120x32xf32, #tpu.memory_space<vmem>>
    %dma_start3A_127 = tpu.memref_squeeze %dma_start3A_126 : memref<1x120x32xf32, #tpu.memory_space<vmem>> -> memref<120x32xf32, #tpu.memory_space<vmem>>
    %dma_start3A_128 = tpu.memref_slice %arg11[%add3A_121] : memref<19200xi32, #tpu.memory_space<vmem>> -> memref<120xi32, #tpu.memory_space<vmem>>
    %dma_start3A_129 = arith.constant 0 : i32
    %dma_start3A_130 = arith.constant 0 : i32
    %dma_start3A_131 = tpu.memref_slice %arg2[%dma_start3A_129, %dma_start3A_130] : memref<400000x32xf32, #tpu.memory_space<hbm>> -> memref<400000x32xf32, #tpu.memory_space<hbm>>
    %dma_start3A_132 = tpu.memref_slice %arg18[%dma_start3A_123] : memref<2x!tpu.dma_semaphore, #tpu.memory_space<semaphore_mem>> -> memref<1x!tpu.dma_semaphore, #tpu.memory_space<semaphore_mem>>
    %dma_start3A_133 = tpu.memref_squeeze %dma_start3A_132 : memref<1x!tpu.dma_semaphore, #tpu.memory_space<semaphore_mem>> -> memref<!tpu.dma_semaphore, #tpu.memory_space<semaphore_mem>>
    tpu.enqueue_indirect_dma source(%dma_start3A_131 : memref<400000x32xf32, #tpu.memory_space<hbm>>) target(%dma_start3A_127 : memref<120x32xf32, #tpu.memory_space<vmem>>) offsets(%dma_start3A_128 : memref<120xi32, #tpu.memory_space<vmem>>) semaphore(%dma_start3A_133 : memref<!tpu.dma_semaphore, #tpu.memory_space<semaphore_mem>>)
    %multiple_of3A_134 = arith.constant 0 : i32
    %multiple_of3A_135 = tpu.assume_multiple %multiple_of3A_134, 600 : i32
    %add3A_136 = arith.constant 480 : i32
    %add3A_137 = arith.addi %multiple_of3A_135, %add3A_136 : i32
    %dma_start3A_138 = arith.constant 0 : i32
    %dma_start3A_139 = arith.constant 0 : i32
    %dma_start3A_140 = arith.constant 480 : i32
    %dma_start3A_141 = arith.constant 0 : i32
    %dma_start3A_142 = tpu.memref_slice %arg15[%dma_start3A_138, %dma_start3A_140, %dma_start3A_141] : memref<2x600x32xf32, #tpu.memory_space<vmem>> -> memref<1x120x32xf32, #tpu.memory_space<vmem>>
    %dma_start3A_143 = tpu.memref_squeeze %dma_start3A_142 : memref<1x120x32xf32, #tpu.memory_space<vmem>> -> memref<120x32xf32, #tpu.memory_space<vmem>>
    %dma_start3A_144 = tpu.memref_slice %arg11[%add3A_137] : memref<19200xi32, #tpu.memory_space<vmem>> -> memref<120xi32, #tpu.memory_space<vmem>>
    %dma_start3A_145 = arith.constant 0 : i32
    %dma_start3A_146 = arith.constant 0 : i32
    %dma_start3A_147 = tpu.memref_slice %arg2[%dma_start3A_145, %dma_start3A_146] : memref<400000x32xf32, #tpu.memory_space<hbm>> -> memref<400000x32xf32, #tpu.memory_space<hbm>>
    %dma_start3A_148 = tpu.memref_slice %arg18[%dma_start3A_139] : memref<2x!tpu.dma_semaphore, #tpu.memory_space<semaphore_mem>> -> memref<1x!tpu.dma_semaphore, #tpu.memory_space<semaphore_mem>>
    %dma_start3A_149 = tpu.memref_squeeze %dma_start3A_148 : memref<1x!tpu.dma_semaphore, #tpu.memory_space<semaphore_mem>> -> memref<!tpu.dma_semaphore, #tpu.memory_space<semaphore_mem>>
    tpu.enqueue_indirect_dma source(%dma_start3A_147 : memref<400000x32xf32, #tpu.memory_space<hbm>>) target(%dma_start3A_143 : memref<120x32xf32, #tpu.memory_space<vmem>>) offsets(%dma_start3A_144 : memref<120xi32, #tpu.memory_space<vmem>>) semaphore(%dma_start3A_149 : memref<!tpu.dma_semaphore, #tpu.memory_space<semaphore_mem>>)
    %scan3A = arith.constant 0 : i32
    %scan3A_150 = arith.constant 0 : i32
    %scan3A_151 = arith.constant 32 : i32
    %scan3A_152 = arith.addi %scan3A_150, %scan3A_151 : i32
    %scan3A_153 = arith.constant 1 : i32
    %scan3A_154 = scf.for %scan3A_156 = %scan3A_150 to %scan3A_152 step %scan3A_153 iter_args(%scan3A_157 = %scan3A) -> (i32)  : i32 {
      %rem3A = arith.constant 2 : i32
      %rem3A_158 = arith.remsi %scan3A_156, %rem3A : i32
      %sub3A = arith.constant 1 : i32
      %sub3A_159 = arith.subi %sub3A, %rem3A_158 : i32
      %add3A_160 = arith.constant 1 : i32
      %add3A_161 = arith.addi %scan3A_156, %add3A_160 : i32
      %lt3A = arith.constant 32 : i32
      %lt3A_162 = arith.cmpi slt, %add3A_161, %lt3A : i32
      %convert_element_type3A = arith.extui %lt3A_162 : i1 to i32
      %cond3A = arith.constant 0 : i32
      %cond3A_163 = arith.cmpi ne, %convert_element_type3A, %cond3A : i32
      scf.if %cond3A_163 {
        %add3A_239 = arith.constant 1 : i32
        %add3A_240 = arith.addi %scan3A_156, %add3A_239 : i32
        %mul3A_241 = arith.constant 8 : i32
        %mul3A_242 = arith.muli %add3A_240, %mul3A_241 : i32
        %multiple_of3A_243 = tpu.assume_multiple %mul3A_242, 8 : i32
        %dma_start3A_244 = arith.constant 0 : i32
        %dma_start3A_245 = arith.constant 0 : i32
        %dma_start3A_246 = tpu.memref_slice %arg12[%sub3A_159, %dma_start3A_244, %dma_start3A_245] : memref<2x8x32xf32, #tpu.memory_space<vmem>> -> memref<1x8x32xf32, #tpu.memory_space<vmem>>
        %dma_start3A_247 = tpu.memref_squeeze %dma_start3A_246 : memref<1x8x32xf32, #tpu.memory_space<vmem>> -> memref<8x32xf32, #tpu.memory_space<vmem>>
        %dma_start3A_248 = tpu.memref_slice %arg8[%multiple_of3A_243] : memref<256xi32, #tpu.memory_space<vmem>> -> memref<8xi32, #tpu.memory_space<vmem>>
        %dma_start3A_249 = arith.constant 0 : i32
        %dma_start3A_250 = arith.constant 0 : i32
        %dma_start3A_251 = tpu.memref_slice %arg2[%dma_start3A_249, %dma_start3A_250] : memref<400000x32xf32, #tpu.memory_space<hbm>> -> memref<400000x32xf32, #tpu.memory_space<hbm>>
        %dma_start3A_252 = tpu.memref_slice %arg18[%sub3A_159] : memref<2x!tpu.dma_semaphore, #tpu.memory_space<semaphore_mem>> -> memref<1x!tpu.dma_semaphore, #tpu.memory_space<semaphore_mem>>
        %dma_start3A_253 = tpu.memref_squeeze %dma_start3A_252 : memref<1x!tpu.dma_semaphore, #tpu.memory_space<semaphore_mem>> -> memref<!tpu.dma_semaphore, #tpu.memory_space<semaphore_mem>>
        tpu.enqueue_indirect_dma source(%dma_start3A_251 : memref<400000x32xf32, #tpu.memory_space<hbm>>) target(%dma_start3A_247 : memref<8x32xf32, #tpu.memory_space<vmem>>) offsets(%dma_start3A_248 : memref<8xi32, #tpu.memory_space<vmem>>) semaphore(%dma_start3A_253 : memref<!tpu.dma_semaphore, #tpu.memory_space<semaphore_mem>>)
        %mul3A_254 = arith.constant 120 : i32
        %mul3A_255 = arith.muli %add3A_240, %mul3A_254 : i32
        %multiple_of3A_256 = tpu.assume_multiple %mul3A_255, 120 : i32
        %dma_start3A_257 = arith.constant 0 : i32
        %dma_start3A_258 = arith.constant 0 : i32
        %dma_start3A_259 = tpu.memref_slice %arg13[%sub3A_159, %dma_start3A_257, %dma_start3A_258] : memref<2x120x32xf32, #tpu.memory_space<vmem>> -> memref<1x120x32xf32, #tpu.memory_space<vmem>>
        %dma_start3A_260 = tpu.memref_squeeze %dma_start3A_259 : memref<1x120x32xf32, #tpu.memory_space<vmem>> -> memref<120x32xf32, #tpu.memory_space<vmem>>
        %dma_start3A_261 = tpu.memref_slice %arg9[%multiple_of3A_256] : memref<3840xi32, #tpu.memory_space<vmem>> -> memref<120xi32, #tpu.memory_space<vmem>>
        %dma_start3A_262 = arith.constant 0 : i32
        %dma_start3A_263 = arith.constant 0 : i32
        %dma_start3A_264 = tpu.memref_slice %arg2[%dma_start3A_262, %dma_start3A_263] : memref<400000x32xf32, #tpu.memory_space<hbm>> -> memref<400000x32xf32, #tpu.memory_space<hbm>>
        %dma_start3A_265 = tpu.memref_slice %arg18[%sub3A_159] : memref<2x!tpu.dma_semaphore, #tpu.memory_space<semaphore_mem>> -> memref<1x!tpu.dma_semaphore, #tpu.memory_space<semaphore_mem>>
        %dma_start3A_266 = tpu.memref_squeeze %dma_start3A_265 : memref<1x!tpu.dma_semaphore, #tpu.memory_space<semaphore_mem>> -> memref<!tpu.dma_semaphore, #tpu.memory_space<semaphore_mem>>
        tpu.enqueue_indirect_dma source(%dma_start3A_264 : memref<400000x32xf32, #tpu.memory_space<hbm>>) target(%dma_start3A_260 : memref<120x32xf32, #tpu.memory_space<vmem>>) offsets(%dma_start3A_261 : memref<120xi32, #tpu.memory_space<vmem>>) semaphore(%dma_start3A_266 : memref<!tpu.dma_semaphore, #tpu.memory_space<semaphore_mem>>)
        %dma_start3A_267 = arith.constant 0 : i32
        %dma_start3A_268 = arith.constant 0 : i32
        %dma_start3A_269 = tpu.memref_slice %arg14[%sub3A_159, %dma_start3A_267, %dma_start3A_268] : memref<2x120x32xf32, #tpu.memory_space<vmem>> -> memref<1x120x32xf32, #tpu.memory_space<vmem>>
        %dma_start3A_270 = tpu.memref_squeeze %dma_start3A_269 : memref<1x120x32xf32, #tpu.memory_space<vmem>> -> memref<120x32xf32, #tpu.memory_space<vmem>>
        %dma_start3A_271 = tpu.memref_slice %arg10[%multiple_of3A_256] : memref<3840xi32, #tpu.memory_space<vmem>> -> memref<120xi32, #tpu.memory_space<vmem>>
        %dma_start3A_272 = arith.constant 0 : i32
        %dma_start3A_273 = arith.constant 0 : i32
        %dma_start3A_274 = tpu.memref_slice %arg2[%dma_start3A_272, %dma_start3A_273] : memref<400000x32xf32, #tpu.memory_space<hbm>> -> memref<400000x32xf32, #tpu.memory_space<hbm>>
        %dma_start3A_275 = tpu.memref_slice %arg18[%sub3A_159] : memref<2x!tpu.dma_semaphore, #tpu.memory_space<semaphore_mem>> -> memref<1x!tpu.dma_semaphore, #tpu.memory_space<semaphore_mem>>
        %dma_start3A_276 = tpu.memref_squeeze %dma_start3A_275 : memref<1x!tpu.dma_semaphore, #tpu.memory_space<semaphore_mem>> -> memref<!tpu.dma_semaphore, #tpu.memory_space<semaphore_mem>>
        tpu.enqueue_indirect_dma source(%dma_start3A_274 : memref<400000x32xf32, #tpu.memory_space<hbm>>) target(%dma_start3A_270 : memref<120x32xf32, #tpu.memory_space<vmem>>) offsets(%dma_start3A_271 : memref<120xi32, #tpu.memory_space<vmem>>) semaphore(%dma_start3A_276 : memref<!tpu.dma_semaphore, #tpu.memory_space<semaphore_mem>>)
        %mul3A_277 = arith.constant 600 : i32
        %mul3A_278 = arith.muli %add3A_240, %mul3A_277 : i32
        %multiple_of3A_279 = tpu.assume_multiple %mul3A_278, 600 : i32
        %add3A_280 = arith.constant 0 : i32
        %add3A_281 = arith.addi %multiple_of3A_279, %add3A_280 : i32
        %dma_start3A_282 = arith.constant 0 : i32
        %dma_start3A_283 = arith.constant 0 : i32
        %dma_start3A_284 = tpu.memref_slice %arg15[%sub3A_159, %dma_start3A_282, %dma_start3A_283] : memref<2x600x32xf32, #tpu.memory_space<vmem>> -> memref<1x120x32xf32, #tpu.memory_space<vmem>>
        %dma_start3A_285 = tpu.memref_squeeze %dma_start3A_284 : memref<1x120x32xf32, #tpu.memory_space<vmem>> -> memref<120x32xf32, #tpu.memory_space<vmem>>
        %dma_start3A_286 = tpu.memref_slice %arg11[%add3A_281] : memref<19200xi32, #tpu.memory_space<vmem>> -> memref<120xi32, #tpu.memory_space<vmem>>
        %dma_start3A_287 = arith.constant 0 : i32
        %dma_start3A_288 = arith.constant 0 : i32
        %dma_start3A_289 = tpu.memref_slice %arg2[%dma_start3A_287, %dma_start3A_288] : memref<400000x32xf32, #tpu.memory_space<hbm>> -> memref<400000x32xf32, #tpu.memory_space<hbm>>
        %dma_start3A_290 = tpu.memref_slice %arg18[%sub3A_159] : memref<2x!tpu.dma_semaphore, #tpu.memory_space<semaphore_mem>> -> memref<1x!tpu.dma_semaphore, #tpu.memory_space<semaphore_mem>>
        %dma_start3A_291 = tpu.memref_squeeze %dma_start3A_290 : memref<1x!tpu.dma_semaphore, #tpu.memory_space<semaphore_mem>> -> memref<!tpu.dma_semaphore, #tpu.memory_space<semaphore_mem>>
        tpu.enqueue_indirect_dma source(%dma_start3A_289 : memref<400000x32xf32, #tpu.memory_space<hbm>>) target(%dma_start3A_285 : memref<120x32xf32, #tpu.memory_space<vmem>>) offsets(%dma_start3A_286 : memref<120xi32, #tpu.memory_space<vmem>>) semaphore(%dma_start3A_291 : memref<!tpu.dma_semaphore, #tpu.memory_space<semaphore_mem>>)
        %mul3A_292 = arith.constant 600 : i32
        %mul3A_293 = arith.muli %add3A_240, %mul3A_292 : i32
        %multiple_of3A_294 = tpu.assume_multiple %mul3A_293, 600 : i32
        %add3A_295 = arith.constant 120 : i32
        %add3A_296 = arith.addi %multiple_of3A_294, %add3A_295 : i32
        %dma_start3A_297 = arith.constant 120 : i32
        %dma_start3A_298 = arith.constant 0 : i32
        %dma_start3A_299 = tpu.memref_slice %arg15[%sub3A_159, %dma_start3A_297, %dma_start3A_298] : memref<2x600x32xf32, #tpu.memory_space<vmem>> -> memref<1x120x32xf32, #tpu.memory_space<vmem>>
        %dma_start3A_300 = tpu.memref_squeeze %dma_start3A_299 : memref<1x120x32xf32, #tpu.memory_space<vmem>> -> memref<120x32xf32, #tpu.memory_space<vmem>>
        %dma_start3A_301 = tpu.memref_slice %arg11[%add3A_296] : memref<19200xi32, #tpu.memory_space<vmem>> -> memref<120xi32, #tpu.memory_space<vmem>>
        %dma_start3A_302 = arith.constant 0 : i32
        %dma_start3A_303 = arith.constant 0 : i32
        %dma_start3A_304 = tpu.memref_slice %arg2[%dma_start3A_302, %dma_start3A_303] : memref<400000x32xf32, #tpu.memory_space<hbm>> -> memref<400000x32xf32, #tpu.memory_space<hbm>>
        %dma_start3A_305 = tpu.memref_slice %arg18[%sub3A_159] : memref<2x!tpu.dma_semaphore, #tpu.memory_space<semaphore_mem>> -> memref<1x!tpu.dma_semaphore, #tpu.memory_space<semaphore_mem>>
        %dma_start3A_306 = tpu.memref_squeeze %dma_start3A_305 : memref<1x!tpu.dma_semaphore, #tpu.memory_space<semaphore_mem>> -> memref<!tpu.dma_semaphore, #tpu.memory_space<semaphore_mem>>
        tpu.enqueue_indirect_dma source(%dma_start3A_304 : memref<400000x32xf32, #tpu.memory_space<hbm>>) target(%dma_start3A_300 : memref<120x32xf32, #tpu.memory_space<vmem>>) offsets(%dma_start3A_301 : memref<120xi32, #tpu.memory_space<vmem>>) semaphore(%dma_start3A_306 : memref<!tpu.dma_semaphore, #tpu.memory_space<semaphore_mem>>)
        %mul3A_307 = arith.constant 600 : i32
        %mul3A_308 = arith.muli %add3A_240, %mul3A_307 : i32
        %multiple_of3A_309 = tpu.assume_multiple %mul3A_308, 600 : i32
        %add3A_310 = arith.constant 240 : i32
        %add3A_311 = arith.addi %multiple_of3A_309, %add3A_310 : i32
        %dma_start3A_312 = arith.constant 240 : i32
        %dma_start3A_313 = arith.constant 0 : i32
        %dma_start3A_314 = tpu.memref_slice %arg15[%sub3A_159, %dma_start3A_312, %dma_start3A_313] : memref<2x600x32xf32, #tpu.memory_space<vmem>> -> memref<1x120x32xf32, #tpu.memory_space<vmem>>
        %dma_start3A_315 = tpu.memref_squeeze %dma_start3A_314 : memref<1x120x32xf32, #tpu.memory_space<vmem>> -> memref<120x32xf32, #tpu.memory_space<vmem>>
        %dma_start3A_316 = tpu.memref_slice %arg11[%add3A_311] : memref<19200xi32, #tpu.memory_space<vmem>> -> memref<120xi32, #tpu.memory_space<vmem>>
        %dma_start3A_317 = arith.constant 0 : i32
        %dma_start3A_318 = arith.constant 0 : i32
        %dma_start3A_319 = tpu.memref_slice %arg2[%dma_start3A_317, %dma_start3A_318] : memref<400000x32xf32, #tpu.memory_space<hbm>> -> memref<400000x32xf32, #tpu.memory_space<hbm>>
        %dma_start3A_320 = tpu.memref_slice %arg18[%sub3A_159] : memref<2x!tpu.dma_semaphore, #tpu.memory_space<semaphore_mem>> -> memref<1x!tpu.dma_semaphore, #tpu.memory_space<semaphore_mem>>
        %dma_start3A_321 = tpu.memref_squeeze %dma_start3A_320 : memref<1x!tpu.dma_semaphore, #tpu.memory_space<semaphore_mem>> -> memref<!tpu.dma_semaphore, #tpu.memory_space<semaphore_mem>>
        tpu.enqueue_indirect_dma source(%dma_start3A_319 : memref<400000x32xf32, #tpu.memory_space<hbm>>) target(%dma_start3A_315 : memref<120x32xf32, #tpu.memory_space<vmem>>) offsets(%dma_start3A_316 : memref<120xi32, #tpu.memory_space<vmem>>) semaphore(%dma_start3A_321 : memref<!tpu.dma_semaphore, #tpu.memory_space<semaphore_mem>>)
        %mul3A_322 = arith.constant 600 : i32
        %mul3A_323 = arith.muli %add3A_240, %mul3A_322 : i32
        %multiple_of3A_324 = tpu.assume_multiple %mul3A_323, 600 : i32
        %add3A_325 = arith.constant 360 : i32
        %add3A_326 = arith.addi %multiple_of3A_324, %add3A_325 : i32
        %dma_start3A_327 = arith.constant 360 : i32
        %dma_start3A_328 = arith.constant 0 : i32
        %dma_start3A_329 = tpu.memref_slice %arg15[%sub3A_159, %dma_start3A_327, %dma_start3A_328] : memref<2x600x32xf32, #tpu.memory_space<vmem>> -> memref<1x120x32xf32, #tpu.memory_space<vmem>>
        %dma_start3A_330 = tpu.memref_squeeze %dma_start3A_329 : memref<1x120x32xf32, #tpu.memory_space<vmem>> -> memref<120x32xf32, #tpu.memory_space<vmem>>
        %dma_start3A_331 = tpu.memref_slice %arg11[%add3A_326] : memref<19200xi32, #tpu.memory_space<vmem>> -> memref<120xi32, #tpu.memory_space<vmem>>
        %dma_start3A_332 = arith.constant 0 : i32
        %dma_start3A_333 = arith.constant 0 : i32
        %dma_start3A_334 = tpu.memref_slice %arg2[%dma_start3A_332, %dma_start3A_333] : memref<400000x32xf32, #tpu.memory_space<hbm>> -> memref<400000x32xf32, #tpu.memory_space<hbm>>
        %dma_start3A_335 = tpu.memref_slice %arg18[%sub3A_159] : memref<2x!tpu.dma_semaphore, #tpu.memory_space<semaphore_mem>> -> memref<1x!tpu.dma_semaphore, #tpu.memory_space<semaphore_mem>>
        %dma_start3A_336 = tpu.memref_squeeze %dma_start3A_335 : memref<1x!tpu.dma_semaphore, #tpu.memory_space<semaphore_mem>> -> memref<!tpu.dma_semaphore, #tpu.memory_space<semaphore_mem>>
        tpu.enqueue_indirect_dma source(%dma_start3A_334 : memref<400000x32xf32, #tpu.memory_space<hbm>>) target(%dma_start3A_330 : memref<120x32xf32, #tpu.memory_space<vmem>>) offsets(%dma_start3A_331 : memref<120xi32, #tpu.memory_space<vmem>>) semaphore(%dma_start3A_336 : memref<!tpu.dma_semaphore, #tpu.memory_space<semaphore_mem>>)
        %mul3A_337 = arith.constant 600 : i32
        %mul3A_338 = arith.muli %add3A_240, %mul3A_337 : i32
        %multiple_of3A_339 = tpu.assume_multiple %mul3A_338, 600 : i32
        %add3A_340 = arith.constant 480 : i32
        %add3A_341 = arith.addi %multiple_of3A_339, %add3A_340 : i32
        %dma_start3A_342 = arith.constant 480 : i32
        %dma_start3A_343 = arith.constant 0 : i32
        %dma_start3A_344 = tpu.memref_slice %arg15[%sub3A_159, %dma_start3A_342, %dma_start3A_343] : memref<2x600x32xf32, #tpu.memory_space<vmem>> -> memref<1x120x32xf32, #tpu.memory_space<vmem>>
        %dma_start3A_345 = tpu.memref_squeeze %dma_start3A_344 : memref<1x120x32xf32, #tpu.memory_space<vmem>> -> memref<120x32xf32, #tpu.memory_space<vmem>>
        %dma_start3A_346 = tpu.memref_slice %arg11[%add3A_341] : memref<19200xi32, #tpu.memory_space<vmem>> -> memref<120xi32, #tpu.memory_space<vmem>>
        %dma_start3A_347 = arith.constant 0 : i32
        %dma_start3A_348 = arith.constant 0 : i32
        %dma_start3A_349 = tpu.memref_slice %arg2[%dma_start3A_347, %dma_start3A_348] : memref<400000x32xf32, #tpu.memory_space<hbm>> -> memref<400000x32xf32, #tpu.memory_space<hbm>>
        %dma_start3A_350 = tpu.memref_slice %arg18[%sub3A_159] : memref<2x!tpu.dma_semaphore, #tpu.memory_space<semaphore_mem>> -> memref<1x!tpu.dma_semaphore, #tpu.memory_space<semaphore_mem>>
        %dma_start3A_351 = tpu.memref_squeeze %dma_start3A_350 : memref<1x!tpu.dma_semaphore, #tpu.memory_space<semaphore_mem>> -> memref<!tpu.dma_semaphore, #tpu.memory_space<semaphore_mem>>
        tpu.enqueue_indirect_dma source(%dma_start3A_349 : memref<400000x32xf32, #tpu.memory_space<hbm>>) target(%dma_start3A_345 : memref<120x32xf32, #tpu.memory_space<vmem>>) offsets(%dma_start3A_346 : memref<120xi32, #tpu.memory_space<vmem>>) semaphore(%dma_start3A_351 : memref<!tpu.dma_semaphore, #tpu.memory_space<semaphore_mem>>)
      } else {
      }
      %dma_wait3A = arith.constant 0 : i32
      %dma_wait3A_164 = arith.constant 0 : i32
      %dma_wait3A_165 = tpu.memref_slice %arg12[%rem3A_158, %dma_wait3A, %dma_wait3A_164] : memref<2x8x32xf32, #tpu.memory_space<vmem>> -> memref<1x8x32xf32, #tpu.memory_space<vmem>>
      %dma_wait3A_166 = tpu.memref_squeeze %dma_wait3A_165 : memref<1x8x32xf32, #tpu.memory_space<vmem>> -> memref<8x32xf32, #tpu.memory_space<vmem>>
      %dma_wait3A_167 = arith.constant 0 : i32
      %dma_wait3A_168 = arith.constant 0 : i32
      %dma_wait3A_169 = tpu.memref_slice %arg2[%dma_wait3A_167, %dma_wait3A_168] : memref<400000x32xf32, #tpu.memory_space<hbm>> -> memref<8x32xf32, #tpu.memory_space<hbm>>
      %dma_wait3A_170 = tpu.memref_slice %arg18[%rem3A_158] : memref<2x!tpu.dma_semaphore, #tpu.memory_space<semaphore_mem>> -> memref<1x!tpu.dma_semaphore, #tpu.memory_space<semaphore_mem>>
      %dma_wait3A_171 = tpu.memref_squeeze %dma_wait3A_170 : memref<1x!tpu.dma_semaphore, #tpu.memory_space<semaphore_mem>> -> memref<!tpu.dma_semaphore, #tpu.memory_space<semaphore_mem>>
      %dma_wait3A_172 = arith.constant 0 : i32
      %dma_wait3A_173 = arith.constant 0 : i32
      %dma_wait3A_174 = tpu.memref_slice %arg12[%rem3A_158, %dma_wait3A_172, %dma_wait3A_173] : memref<2x8x32xf32, #tpu.memory_space<vmem>> -> memref<1x8x32xf32, #tpu.memory_space<vmem>>
      %dma_wait3A_175 = tpu.memref_squeeze %dma_wait3A_174 : memref<1x8x32xf32, #tpu.memory_space<vmem>> -> memref<8x32xf32, #tpu.memory_space<vmem>>
      %dma_wait3A_176 = arith.constant 0 : i32
      %dma_wait3A_177 = arith.constant 0 : i32
      %dma_wait3A_178 = tpu.memref_slice %arg2[%dma_wait3A_176, %dma_wait3A_177] : memref<400000x32xf32, #tpu.memory_space<hbm>> -> memref<8x32xf32, #tpu.memory_space<hbm>>
      tpu.wait_dma2 semaphore(%dma_wait3A_171 : memref<!tpu.dma_semaphore, #tpu.memory_space<semaphore_mem>>) src(%dma_wait3A_178 : memref<8x32xf32, #tpu.memory_space<hbm>>) dst(%dma_wait3A_175 : memref<8x32xf32, #tpu.memory_space<vmem>>)
      %dma_wait3A_179 = arith.constant 0 : i32
      %dma_wait3A_180 = arith.constant 0 : i32
      %dma_wait3A_181 = tpu.memref_slice %arg13[%rem3A_158, %dma_wait3A_179, %dma_wait3A_180] : memref<2x120x32xf32, #tpu.memory_space<vmem>> -> memref<1x120x32xf32, #tpu.memory_space<vmem>>
      %dma_wait3A_182 = tpu.memref_squeeze %dma_wait3A_181 : memref<1x120x32xf32, #tpu.memory_space<vmem>> -> memref<120x32xf32, #tpu.memory_space<vmem>>
      %dma_wait3A_183 = arith.constant 0 : i32
      %dma_wait3A_184 = arith.constant 0 : i32
      %dma_wait3A_185 = tpu.memref_slice %arg2[%dma_wait3A_183, %dma_wait3A_184] : memref<400000x32xf32, #tpu.memory_space<hbm>> -> memref<120x32xf32, #tpu.memory_space<hbm>>
      %dma_wait3A_186 = tpu.memref_slice %arg18[%rem3A_158] : memref<2x!tpu.dma_semaphore, #tpu.memory_space<semaphore_mem>> -> memref<1x!tpu.dma_semaphore, #tpu.memory_space<semaphore_mem>>
      %dma_wait3A_187 = tpu.memref_squeeze %dma_wait3A_186 : memref<1x!tpu.dma_semaphore, #tpu.memory_space<semaphore_mem>> -> memref<!tpu.dma_semaphore, #tpu.memory_space<semaphore_mem>>
      %dma_wait3A_188 = arith.constant 0 : i32
      %dma_wait3A_189 = arith.constant 0 : i32
      %dma_wait3A_190 = tpu.memref_slice %arg13[%rem3A_158, %dma_wait3A_188, %dma_wait3A_189] : memref<2x120x32xf32, #tpu.memory_space<vmem>> -> memref<1x120x32xf32, #tpu.memory_space<vmem>>
      %dma_wait3A_191 = tpu.memref_squeeze %dma_wait3A_190 : memref<1x120x32xf32, #tpu.memory_space<vmem>> -> memref<120x32xf32, #tpu.memory_space<vmem>>
      %dma_wait3A_192 = arith.constant 0 : i32
      %dma_wait3A_193 = arith.constant 0 : i32
      %dma_wait3A_194 = tpu.memref_slice %arg2[%dma_wait3A_192, %dma_wait3A_193] : memref<400000x32xf32, #tpu.memory_space<hbm>> -> memref<120x32xf32, #tpu.memory_space<hbm>>
      tpu.wait_dma2 semaphore(%dma_wait3A_187 : memref<!tpu.dma_semaphore, #tpu.memory_space<semaphore_mem>>) src(%dma_wait3A_194 : memref<120x32xf32, #tpu.memory_space<hbm>>) dst(%dma_wait3A_191 : memref<120x32xf32, #tpu.memory_space<vmem>>)
      %dma_wait3A_195 = arith.constant 0 : i32
      %dma_wait3A_196 = arith.constant 0 : i32
      %dma_wait3A_197 = tpu.memref_slice %arg14[%rem3A_158, %dma_wait3A_195, %dma_wait3A_196] : memref<2x120x32xf32, #tpu.memory_space<vmem>> -> memref<1x120x32xf32, #tpu.memory_space<vmem>>
      %dma_wait3A_198 = tpu.memref_squeeze %dma_wait3A_197 : memref<1x120x32xf32, #tpu.memory_space<vmem>> -> memref<120x32xf32, #tpu.memory_space<vmem>>
      %dma_wait3A_199 = arith.constant 0 : i32
      %dma_wait3A_200 = arith.constant 0 : i32
      %dma_wait3A_201 = tpu.memref_slice %arg2[%dma_wait3A_199, %dma_wait3A_200] : memref<400000x32xf32, #tpu.memory_space<hbm>> -> memref<120x32xf32, #tpu.memory_space<hbm>>
      %dma_wait3A_202 = tpu.memref_slice %arg18[%rem3A_158] : memref<2x!tpu.dma_semaphore, #tpu.memory_space<semaphore_mem>> -> memref<1x!tpu.dma_semaphore, #tpu.memory_space<semaphore_mem>>
      %dma_wait3A_203 = tpu.memref_squeeze %dma_wait3A_202 : memref<1x!tpu.dma_semaphore, #tpu.memory_space<semaphore_mem>> -> memref<!tpu.dma_semaphore, #tpu.memory_space<semaphore_mem>>
      %dma_wait3A_204 = arith.constant 0 : i32
      %dma_wait3A_205 = arith.constant 0 : i32
      %dma_wait3A_206 = tpu.memref_slice %arg14[%rem3A_158, %dma_wait3A_204, %dma_wait3A_205] : memref<2x120x32xf32, #tpu.memory_space<vmem>> -> memref<1x120x32xf32, #tpu.memory_space<vmem>>
      %dma_wait3A_207 = tpu.memref_squeeze %dma_wait3A_206 : memref<1x120x32xf32, #tpu.memory_space<vmem>> -> memref<120x32xf32, #tpu.memory_space<vmem>>
      %dma_wait3A_208 = arith.constant 0 : i32
      %dma_wait3A_209 = arith.constant 0 : i32
      %dma_wait3A_210 = tpu.memref_slice %arg2[%dma_wait3A_208, %dma_wait3A_209] : memref<400000x32xf32, #tpu.memory_space<hbm>> -> memref<120x32xf32, #tpu.memory_space<hbm>>
      tpu.wait_dma2 semaphore(%dma_wait3A_203 : memref<!tpu.dma_semaphore, #tpu.memory_space<semaphore_mem>>) src(%dma_wait3A_210 : memref<120x32xf32, #tpu.memory_space<hbm>>) dst(%dma_wait3A_207 : memref<120x32xf32, #tpu.memory_space<vmem>>)
      %dma_wait3A_211 = arith.constant 0 : i32
      %dma_wait3A_212 = arith.constant 0 : i32
      %dma_wait3A_213 = tpu.memref_slice %arg15[%rem3A_158, %dma_wait3A_211, %dma_wait3A_212] : memref<2x600x32xf32, #tpu.memory_space<vmem>> -> memref<1x600x32xf32, #tpu.memory_space<vmem>>
      %dma_wait3A_214 = tpu.memref_squeeze %dma_wait3A_213 : memref<1x600x32xf32, #tpu.memory_space<vmem>> -> memref<600x32xf32, #tpu.memory_space<vmem>>
      %dma_wait3A_215 = arith.constant 0 : i32
      %dma_wait3A_216 = arith.constant 0 : i32
      %dma_wait3A_217 = tpu.memref_slice %arg2[%dma_wait3A_215, %dma_wait3A_216] : memref<400000x32xf32, #tpu.memory_space<hbm>> -> memref<600x32xf32, #tpu.memory_space<hbm>>
      %dma_wait3A_218 = tpu.memref_slice %arg18[%rem3A_158] : memref<2x!tpu.dma_semaphore, #tpu.memory_space<semaphore_mem>> -> memref<1x!tpu.dma_semaphore, #tpu.memory_space<semaphore_mem>>
      %dma_wait3A_219 = tpu.memref_squeeze %dma_wait3A_218 : memref<1x!tpu.dma_semaphore, #tpu.memory_space<semaphore_mem>> -> memref<!tpu.dma_semaphore, #tpu.memory_space<semaphore_mem>>
      %dma_wait3A_220 = arith.constant 0 : i32
      %dma_wait3A_221 = arith.constant 0 : i32
      %dma_wait3A_222 = tpu.memref_slice %arg15[%rem3A_158, %dma_wait3A_220, %dma_wait3A_221] : memref<2x600x32xf32, #tpu.memory_space<vmem>> -> memref<1x600x32xf32, #tpu.memory_space<vmem>>
      %dma_wait3A_223 = tpu.memref_squeeze %dma_wait3A_222 : memref<1x600x32xf32, #tpu.memory_space<vmem>> -> memref<600x32xf32, #tpu.memory_space<vmem>>
      %dma_wait3A_224 = arith.constant 0 : i32
      %dma_wait3A_225 = arith.constant 0 : i32
      %dma_wait3A_226 = tpu.memref_slice %arg2[%dma_wait3A_224, %dma_wait3A_225] : memref<400000x32xf32, #tpu.memory_space<hbm>> -> memref<600x32xf32, #tpu.memory_space<hbm>>
      tpu.wait_dma2 semaphore(%dma_wait3A_219 : memref<!tpu.dma_semaphore, #tpu.memory_space<semaphore_mem>>) src(%dma_wait3A_226 : memref<600x32xf32, #tpu.memory_space<hbm>>) dst(%dma_wait3A_223 : memref<600x32xf32, #tpu.memory_space<vmem>>)
      %parallel_loop3A_227 = arith.constant 0 : i32
      %parallel_loop3A_228 = arith.constant 8 : i32
      %parallel_loop3A_229 = arith.constant 1 : i32
      scf.for %parallel_loop3A_239 = %parallel_loop3A_227 to %parallel_loop3A_228 step %parallel_loop3A_229  : i32 {
        %parallel_loop3A_240 = arith.constant 128 : i32
        %parallel_loop3A_241 = arith.muli %parallel_loop3A_239, %parallel_loop3A_240 : i32
        %parallel_loop3A_242 = arith.index_cast %rem3A_158 : i32 to index
        %parallel_loop3A_243 = arith.index_cast %parallel_loop3A_239 : i32 to index
        %parallel_loop3A_244 = arith.constant 0 : index
        %parallel_loop3A_245 = tpu.vector_load %arg12[%parallel_loop3A_242, %parallel_loop3A_243, %parallel_loop3A_244] {strides = array<i32>} : memref<2x8x32xf32, #tpu.memory_space<vmem>>, vector<1x1x16xf32>,
        %parallel_loop3A_246 = vector.shape_cast %parallel_loop3A_245 : vector<1x1x16xf32> to vector<16xf32>
        %parallel_loop3A_247 = arith.addf %parallel_loop3A_246, %get3A_2 : vector<16xf32>
        %parallel_loop3A_248 = arith.constant 0.000000e+00 : f32
        %parallel_loop3A_249 = vector.broadcast %parallel_loop3A_248 : f32 to vector<16xf32>
        %parallel_loop3A_250 = arith.maximumf %parallel_loop3A_247, %parallel_loop3A_249 : vector<16xf32>
        %parallel_loop3A_251 = arith.index_cast %parallel_loop3A_241 : i32 to index
        %parallel_loop3A_252 = tpu.vector_load %arg17[%parallel_loop3A_251] {strides = array<i32>} : memref<1024xf32, #tpu.memory_space<vmem>>, vector<16xf32>,
        %parallel_loop3A_253 = vector.shape_cast %parallel_loop3A_252 : vector<16xf32> to vector<16xf32>
        %parallel_loop3A_254 = vector.shape_cast %parallel_loop3A_250 : vector<16xf32> to vector<16xf32>
        tpu.vector_store %arg17[%parallel_loop3A_251], %parallel_loop3A_254 {strides = array<i32>} : memref<1024xf32, #tpu.memory_space<vmem>>, vector<16xf32>,
        %parallel_loop3A_255 = arith.index_cast %rem3A_158 : i32 to index
        %parallel_loop3A_256 = arith.index_cast %parallel_loop3A_239 : i32 to index
        %parallel_loop3A_257 = arith.constant 16 : index
        %parallel_loop3A_258 = tpu.vector_load %arg12[%parallel_loop3A_255, %parallel_loop3A_256, %parallel_loop3A_257] {strides = array<i32>} : memref<2x8x32xf32, #tpu.memory_space<vmem>>, vector<1x1x16xf32>,
        %parallel_loop3A_259 = vector.shape_cast %parallel_loop3A_258 : vector<1x1x16xf32> to vector<16xf32>
        %parallel_loop3A_260 = arith.addf %parallel_loop3A_259, %get3A_5 : vector<16xf32>
        %parallel_loop3A_261 = arith.constant 0.000000e+00 : f32
        %parallel_loop3A_262 = vector.broadcast %parallel_loop3A_261 : f32 to vector<16xf32>
        %parallel_loop3A_263 = arith.maximumf %parallel_loop3A_260, %parallel_loop3A_262 : vector<16xf32>
        %parallel_loop3A_264 = arith.constant 16 : i32
        %parallel_loop3A_265 = arith.addi %parallel_loop3A_241, %parallel_loop3A_264 : i32
        %parallel_loop3A_266 = arith.index_cast %parallel_loop3A_265 : i32 to index
        %parallel_loop3A_267 = tpu.vector_load %arg17[%parallel_loop3A_266] {strides = array<i32>} : memref<1024xf32, #tpu.memory_space<vmem>>, vector<16xf32>,
        %parallel_loop3A_268 = vector.shape_cast %parallel_loop3A_267 : vector<16xf32> to vector<16xf32>
        %parallel_loop3A_269 = vector.shape_cast %parallel_loop3A_263 : vector<16xf32> to vector<16xf32>
        tpu.vector_store %arg17[%parallel_loop3A_266], %parallel_loop3A_269 {strides = array<i32>} : memref<1024xf32, #tpu.memory_space<vmem>>, vector<16xf32>,
        %parallel_loop3A_270 = arith.constant 0 : i32
        %parallel_loop3A_271 = arith.constant 15 : i32
        %parallel_loop3A_272 = arith.addi %parallel_loop3A_270, %parallel_loop3A_271 : i32
        %parallel_loop3A_273 = arith.constant 1 : i32
        %parallel_loop3A_274:6 = scf.for %scan3A_338 = %parallel_loop3A_270 to %parallel_loop3A_272 step %parallel_loop3A_273 iter_args(%scan3A_339 = %broadcast_in_dim3A_12, %scan3A_340 = %broadcast_in_dim3A_12, %scan3A_341 = %broadcast_in_dim3A_12, %scan3A_342 = %broadcast_in_dim3A_12, %scan3A_343 = %broadcast_in_dim3A_12, %scan3A_344 = %broadcast_in_dim3A_12) -> (vector<16xf32>, vector<16xf32>, vector<16xf32>, vector<16xf32>, vector<16xf32>, vector<16xf32>)  : i32 {
          %parallel_loop3A_345 = arith.constant 15 : i32
          %parallel_loop3A_346 = arith.muli %parallel_loop3A_239, %parallel_loop3A_345 : i32
          %parallel_loop3A_347 = arith.addi %parallel_loop3A_346, %scan3A_338 : i32
          %parallel_loop3A_348 = arith.constant 5 : i32
          %parallel_loop3A_349 = arith.muli %parallel_loop3A_347, %parallel_loop3A_348 : i32
          %parallel_loop3A_350 = arith.index_cast %rem3A_158 : i32 to index
          %parallel_loop3A_351 = arith.index_cast %parallel_loop3A_349 : i32 to index
          %parallel_loop3A_352 = arith.constant 0 : index
          %parallel_loop3A_353 = tpu.vector_load %arg15[%parallel_loop3A_350, %parallel_loop3A_351, %parallel_loop3A_352] {strides = array<i32>} : memref<2x600x32xf32, #tpu.memory_space<vmem>>, vector<1x1x16xf32>,
          %parallel_loop3A_354 = vector.shape_cast %parallel_loop3A_353 : vector<1x1x16xf32> to vector<16xf32>
          %parallel_loop3A_355 = arith.constant 1 : i32
          %parallel_loop3A_356 = arith.addi %parallel_loop3A_349, %parallel_loop3A_355 : i32
          %parallel_loop3A_357 = arith.index_cast %rem3A_158 : i32 to index
          %parallel_loop3A_358 = arith.index_cast %parallel_loop3A_356 : i32 to index
          %parallel_loop3A_359 = arith.constant 0 : index
          %parallel_loop3A_360 = tpu.vector_load %arg15[%parallel_loop3A_357, %parallel_loop3A_358, %parallel_loop3A_359] {strides = array<i32>} : memref<2x600x32xf32, #tpu.memory_space<vmem>>, vector<1x1x16xf32>,
          %parallel_loop3A_361 = vector.shape_cast %parallel_loop3A_360 : vector<1x1x16xf32> to vector<16xf32>
          %parallel_loop3A_362 = arith.addf %parallel_loop3A_354, %parallel_loop3A_361 : vector<16xf32>
          %parallel_loop3A_363 = arith.constant 2 : i32
          %parallel_loop3A_364 = arith.addi %parallel_loop3A_349, %parallel_loop3A_363 : i32
          %parallel_loop3A_365 = arith.index_cast %rem3A_158 : i32 to index
          %parallel_loop3A_366 = arith.index_cast %parallel_loop3A_364 : i32 to index
          %parallel_loop3A_367 = arith.constant 0 : index
          %parallel_loop3A_368 = tpu.vector_load %arg15[%parallel_loop3A_365, %parallel_loop3A_366, %parallel_loop3A_367] {strides = array<i32>} : memref<2x600x32xf32, #tpu.memory_space<vmem>>, vector<1x1x16xf32>,
          %parallel_loop3A_369 = vector.shape_cast %parallel_loop3A_368 : vector<1x1x16xf32> to vector<16xf32>
          %parallel_loop3A_370 = arith.addf %parallel_loop3A_362, %parallel_loop3A_369 : vector<16xf32>
          %parallel_loop3A_371 = arith.constant 3 : i32
          %parallel_loop3A_372 = arith.addi %parallel_loop3A_349, %parallel_loop3A_371 : i32
          %parallel_loop3A_373 = arith.index_cast %rem3A_158 : i32 to index
          %parallel_loop3A_374 = arith.index_cast %parallel_loop3A_372 : i32 to index
          %parallel_loop3A_375 = arith.constant 0 : index
          %parallel_loop3A_376 = tpu.vector_load %arg15[%parallel_loop3A_373, %parallel_loop3A_374, %parallel_loop3A_375] {strides = array<i32>} : memref<2x600x32xf32, #tpu.memory_space<vmem>>, vector<1x1x16xf32>,
          %parallel_loop3A_377 = vector.shape_cast %parallel_loop3A_376 : vector<1x1x16xf32> to vector<16xf32>
          %parallel_loop3A_378 = arith.addf %parallel_loop3A_370, %parallel_loop3A_377 : vector<16xf32>
          %parallel_loop3A_379 = arith.constant 4 : i32
          %parallel_loop3A_380 = arith.addi %parallel_loop3A_349, %parallel_loop3A_379 : i32
          %parallel_loop3A_381 = arith.index_cast %rem3A_158 : i32 to index
          %parallel_loop3A_382 = arith.index_cast %parallel_loop3A_380 : i32 to index
          %parallel_loop3A_383 = arith.constant 0 : index
          %parallel_loop3A_384 = tpu.vector_load %arg15[%parallel_loop3A_381, %parallel_loop3A_382, %parallel_loop3A_383] {strides = array<i32>} : memref<2x600x32xf32, #tpu.memory_space<vmem>>, vector<1x1x16xf32>,
          %parallel_loop3A_385 = vector.shape_cast %parallel_loop3A_384 : vector<1x1x16xf32> to vector<16xf32>
          %parallel_loop3A_386 = arith.addf %parallel_loop3A_378, %parallel_loop3A_385 : vector<16xf32>
          %parallel_loop3A_387 = arith.index_cast %rem3A_158 : i32 to index
          %parallel_loop3A_388 = arith.index_cast %parallel_loop3A_349 : i32 to index
          %parallel_loop3A_389 = arith.constant 16 : index
          %parallel_loop3A_390 = tpu.vector_load %arg15[%parallel_loop3A_387, %parallel_loop3A_388, %parallel_loop3A_389] {strides = array<i32>} : memref<2x600x32xf32, #tpu.memory_space<vmem>>, vector<1x1x16xf32>,
          %parallel_loop3A_391 = vector.shape_cast %parallel_loop3A_390 : vector<1x1x16xf32> to vector<16xf32>
          %parallel_loop3A_392 = arith.constant 1 : i32
          %parallel_loop3A_393 = arith.addi %parallel_loop3A_349, %parallel_loop3A_392 : i32
          %parallel_loop3A_394 = arith.index_cast %rem3A_158 : i32 to index
          %parallel_loop3A_395 = arith.index_cast %parallel_loop3A_393 : i32 to index
          %parallel_loop3A_396 = arith.constant 16 : index
          %parallel_loop3A_397 = tpu.vector_load %arg15[%parallel_loop3A_394, %parallel_loop3A_395, %parallel_loop3A_396] {strides = array<i32>} : memref<2x600x32xf32, #tpu.memory_space<vmem>>, vector<1x1x16xf32>,
          %parallel_loop3A_398 = vector.shape_cast %parallel_loop3A_397 : vector<1x1x16xf32> to vector<16xf32>
          %parallel_loop3A_399 = arith.addf %parallel_loop3A_391, %parallel_loop3A_398 : vector<16xf32>
          %parallel_loop3A_400 = arith.constant 2 : i32
          %parallel_loop3A_401 = arith.addi %parallel_loop3A_349, %parallel_loop3A_400 : i32
          %parallel_loop3A_402 = arith.index_cast %rem3A_158 : i32 to index
          %parallel_loop3A_403 = arith.index_cast %parallel_loop3A_401 : i32 to index
          %parallel_loop3A_404 = arith.constant 16 : index
          %parallel_loop3A_405 = tpu.vector_load %arg15[%parallel_loop3A_402, %parallel_loop3A_403, %parallel_loop3A_404] {strides = array<i32>} : memref<2x600x32xf32, #tpu.memory_space<vmem>>, vector<1x1x16xf32>,
          %parallel_loop3A_406 = vector.shape_cast %parallel_loop3A_405 : vector<1x1x16xf32> to vector<16xf32>
          %parallel_loop3A_407 = arith.addf %parallel_loop3A_399, %parallel_loop3A_406 : vector<16xf32>
          %parallel_loop3A_408 = arith.constant 3 : i32
          %parallel_loop3A_409 = arith.addi %parallel_loop3A_349, %parallel_loop3A_408 : i32
          %parallel_loop3A_410 = arith.index_cast %rem3A_158 : i32 to index
          %parallel_loop3A_411 = arith.index_cast %parallel_loop3A_409 : i32 to index
          %parallel_loop3A_412 = arith.constant 16 : index
          %parallel_loop3A_413 = tpu.vector_load %arg15[%parallel_loop3A_410, %parallel_loop3A_411, %parallel_loop3A_412] {strides = array<i32>} : memref<2x600x32xf32, #tpu.memory_space<vmem>>, vector<1x1x16xf32>,
          %parallel_loop3A_414 = vector.shape_cast %parallel_loop3A_413 : vector<1x1x16xf32> to vector<16xf32>
          %parallel_loop3A_415 = arith.addf %parallel_loop3A_407, %parallel_loop3A_414 : vector<16xf32>
          %parallel_loop3A_416 = arith.constant 4 : i32
          %parallel_loop3A_417 = arith.addi %parallel_loop3A_349, %parallel_loop3A_416 : i32
          %parallel_loop3A_418 = arith.index_cast %rem3A_158 : i32 to index
          %parallel_loop3A_419 = arith.index_cast %parallel_loop3A_417 : i32 to index
          %parallel_loop3A_420 = arith.constant 16 : index
          %parallel_loop3A_421 = tpu.vector_load %arg15[%parallel_loop3A_418, %parallel_loop3A_419, %parallel_loop3A_420] {strides = array<i32>} : memref<2x600x32xf32, #tpu.memory_space<vmem>>, vector<1x1x16xf32>,
          %parallel_loop3A_422 = vector.shape_cast %parallel_loop3A_421 : vector<1x1x16xf32> to vector<16xf32>
          %parallel_loop3A_423 = arith.addf %parallel_loop3A_415, %parallel_loop3A_422 : vector<16xf32>
          %parallel_loop3A_424 = arith.index_cast %rem3A_158 : i32 to index
          %parallel_loop3A_425 = arith.index_cast %parallel_loop3A_347 : i32 to index
          %parallel_loop3A_426 = arith.constant 0 : index
          %parallel_loop3A_427 = tpu.vector_load %arg14[%parallel_loop3A_424, %parallel_loop3A_425, %parallel_loop3A_426] {strides = array<i32>} : memref<2x120x32xf32, #tpu.memory_space<vmem>>, vector<1x1x16xf32>,
          %parallel_loop3A_428 = vector.shape_cast %parallel_loop3A_427 : vector<1x1x16xf32> to vector<16xf32>
          %parallel_loop3A_429 = arith.addf %scan3A_339, %parallel_loop3A_428 : vector<16xf32>
          %parallel_loop3A_430 = arith.index_cast %rem3A_158 : i32 to index
          %parallel_loop3A_431 = arith.index_cast %parallel_loop3A_347 : i32 to index
          %parallel_loop3A_432 = arith.constant 16 : index
          %parallel_loop3A_433 = tpu.vector_load %arg14[%parallel_loop3A_430, %parallel_loop3A_431, %parallel_loop3A_432] {strides = array<i32>} : memref<2x120x32xf32, #tpu.memory_space<vmem>>, vector<1x1x16xf32>,
          %parallel_loop3A_434 = vector.shape_cast %parallel_loop3A_433 : vector<1x1x16xf32> to vector<16xf32>
          %parallel_loop3A_435 = arith.addf %scan3A_340, %parallel_loop3A_434 : vector<16xf32>
          %parallel_loop3A_436 = arith.index_cast %rem3A_158 : i32 to index
          %parallel_loop3A_437 = arith.index_cast %parallel_loop3A_347 : i32 to index
          %parallel_loop3A_438 = arith.constant 0 : index
          %parallel_loop3A_439 = tpu.vector_load %arg13[%parallel_loop3A_436, %parallel_loop3A_437, %parallel_loop3A_438] {strides = array<i32>} : memref<2x120x32xf32, #tpu.memory_space<vmem>>, vector<1x1x16xf32>,
          %parallel_loop3A_440 = vector.shape_cast %parallel_loop3A_439 : vector<1x1x16xf32> to vector<16xf32>
          %parallel_loop3A_441 = arith.addf %parallel_loop3A_440, %get3A_2 : vector<16xf32>
          %parallel_loop3A_442 = arith.constant 0.000000e+00 : f32
          %parallel_loop3A_443 = vector.broadcast %parallel_loop3A_442 : f32 to vector<16xf32>
          %parallel_loop3A_444 = arith.maximumf %parallel_loop3A_441, %parallel_loop3A_443 : vector<16xf32>
          %parallel_loop3A_445 = arith.addf %scan3A_341, %parallel_loop3A_444 : vector<16xf32>
          %parallel_loop3A_446 = arith.index_cast %rem3A_158 : i32 to index
          %parallel_loop3A_447 = arith.index_cast %parallel_loop3A_347 : i32 to index
          %parallel_loop3A_448 = arith.constant 16 : index
          %parallel_loop3A_449 = tpu.vector_load %arg13[%parallel_loop3A_446, %parallel_loop3A_447, %parallel_loop3A_448] {strides = array<i32>} : memref<2x120x32xf32, #tpu.memory_space<vmem>>, vector<1x1x16xf32>,
          %parallel_loop3A_450 = vector.shape_cast %parallel_loop3A_449 : vector<1x1x16xf32> to vector<16xf32>
          %parallel_loop3A_451 = arith.addf %parallel_loop3A_450, %get3A_5 : vector<16xf32>
          %parallel_loop3A_452 = arith.constant 0.000000e+00 : f32
          %parallel_loop3A_453 = vector.broadcast %parallel_loop3A_452 : f32 to vector<16xf32>
          %parallel_loop3A_454 = arith.maximumf %parallel_loop3A_451, %parallel_loop3A_453 : vector<16xf32>
          %parallel_loop3A_455 = arith.addf %scan3A_342, %parallel_loop3A_454 : vector<16xf32>
          %parallel_loop3A_456 = arith.constant 2.000000e-01 : f32
          %parallel_loop3A_457 = vector.broadcast %parallel_loop3A_456 : f32 to vector<16xf32>
          %parallel_loop3A_458 = arith.mulf %parallel_loop3A_386, %parallel_loop3A_457 : vector<16xf32>
          %parallel_loop3A_459 = arith.addf %parallel_loop3A_458, %get3A_8 : vector<16xf32>
          %parallel_loop3A_460 = arith.constant 0.000000e+00 : f32
          %parallel_loop3A_461 = vector.broadcast %parallel_loop3A_460 : f32 to vector<16xf32>
          %parallel_loop3A_462 = arith.maximumf %parallel_loop3A_459, %parallel_loop3A_461 : vector<16xf32>
          %parallel_loop3A_463 = arith.addf %scan3A_343, %parallel_loop3A_462 : vector<16xf32>
          %parallel_loop3A_464 = arith.constant 2.000000e-01 : f32
          %parallel_loop3A_465 = vector.broadcast %parallel_loop3A_464 : f32 to vector<16xf32>
          %parallel_loop3A_466 = arith.mulf %parallel_loop3A_423, %parallel_loop3A_465 : vector<16xf32>
          %parallel_loop3A_467 = arith.addf %parallel_loop3A_466, %get3A_11 : vector<16xf32>
          %parallel_loop3A_468 = arith.constant 0.000000e+00 : f32
          %parallel_loop3A_469 = vector.broadcast %parallel_loop3A_468 : f32 to vector<16xf32>
          %parallel_loop3A_470 = arith.maximumf %parallel_loop3A_467, %parallel_loop3A_469 : vector<16xf32>
          %parallel_loop3A_471 = arith.addf %scan3A_344, %parallel_loop3A_470 : vector<16xf32>
          scf.yield %parallel_loop3A_429, %parallel_loop3A_435, %parallel_loop3A_445, %parallel_loop3A_455, %parallel_loop3A_463, %parallel_loop3A_471 : vector<16xf32>, vector<16xf32>, vector<16xf32>, vector<16xf32>, vector<16xf32>, vector<16xf32>
        }
        %parallel_loop3A_275 = arith.constant 15 : i32
        %parallel_loop3A_276 = arith.constant 0.0666666701 : f32
        %parallel_loop3A_277 = vector.broadcast %parallel_loop3A_276 : f32 to vector<16xf32>
        %parallel_loop3A_278 = arith.mulf %parallel_loop3A_274#0, %parallel_loop3A_277 : vector<16xf32>
        %parallel_loop3A_279 = arith.addf %parallel_loop3A_278, %get3A_8 : vector<16xf32>
        %parallel_loop3A_280 = arith.constant 0.000000e+00 : f32
        %parallel_loop3A_281 = vector.broadcast %parallel_loop3A_280 : f32 to vector<16xf32>
        %parallel_loop3A_282 = arith.maximumf %parallel_loop3A_279, %parallel_loop3A_281 : vector<16xf32>
        %parallel_loop3A_283 = arith.constant 32 : i32
        %parallel_loop3A_284 = arith.addi %parallel_loop3A_241, %parallel_loop3A_283 : i32
        %parallel_loop3A_285 = arith.index_cast %parallel_loop3A_284 : i32 to index
        %parallel_loop3A_286 = tpu.vector_load %arg17[%parallel_loop3A_285] {strides = array<i32>} : memref<1024xf32, #tpu.memory_space<vmem>>, vector<16xf32>,
        %parallel_loop3A_287 = vector.shape_cast %parallel_loop3A_286 : vector<16xf32> to vector<16xf32>
        %parallel_loop3A_288 = vector.shape_cast %parallel_loop3A_282 : vector<16xf32> to vector<16xf32>
        tpu.vector_store %arg17[%parallel_loop3A_285], %parallel_loop3A_288 {strides = array<i32>} : memref<1024xf32, #tpu.memory_space<vmem>>, vector<16xf32>,
        %parallel_loop3A_289 = arith.constant 0.0666666701 : f32
        %parallel_loop3A_290 = vector.broadcast %parallel_loop3A_289 : f32 to vector<16xf32>
        %parallel_loop3A_291 = arith.mulf %parallel_loop3A_274#1, %parallel_loop3A_290 : vector<16xf32>
        %parallel_loop3A_292 = arith.addf %parallel_loop3A_291, %get3A_11 : vector<16xf32>
        %parallel_loop3A_293 = arith.constant 0.000000e+00 : f32
        %parallel_loop3A_294 = vector.broadcast %parallel_loop3A_293 : f32 to vector<16xf32>
        %parallel_loop3A_295 = arith.maximumf %parallel_loop3A_292, %parallel_loop3A_294 : vector<16xf32>
        %parallel_loop3A_296 = arith.constant 48 : i32
        %parallel_loop3A_297 = arith.addi %parallel_loop3A_241, %parallel_loop3A_296 : i32
        %parallel_loop3A_298 = arith.index_cast %parallel_loop3A_297 : i32 to index
        %parallel_loop3A_299 = tpu.vector_load %arg17[%parallel_loop3A_298] {strides = array<i32>} : memref<1024xf32, #tpu.memory_space<vmem>>, vector<16xf32>,
        %parallel_loop3A_300 = vector.shape_cast %parallel_loop3A_299 : vector<16xf32> to vector<16xf32>
        %parallel_loop3A_301 = vector.shape_cast %parallel_loop3A_295 : vector<16xf32> to vector<16xf32>
        tpu.vector_store %arg17[%parallel_loop3A_298], %parallel_loop3A_301 {strides = array<i32>} : memref<1024xf32, #tpu.memory_space<vmem>>, vector<16xf32>,
        %parallel_loop3A_302 = arith.constant 0.0666666701 : f32
        %parallel_loop3A_303 = vector.broadcast %parallel_loop3A_302 : f32 to vector<16xf32>
        %parallel_loop3A_304 = arith.mulf %parallel_loop3A_274#2, %parallel_loop3A_303 : vector<16xf32>
        %parallel_loop3A_305 = arith.constant 64 : i32
        %parallel_loop3A_306 = arith.addi %parallel_loop3A_241, %parallel_loop3A_305 : i32
        %parallel_loop3A_307 = arith.index_cast %parallel_loop3A_306 : i32 to index
        %parallel_loop3A_308 = tpu.vector_load %arg17[%parallel_loop3A_307] {strides = array<i32>} : memref<1024xf32, #tpu.memory_space<vmem>>, vector<16xf32>,
        %parallel_loop3A_309 = vector.shape_cast %parallel_loop3A_308 : vector<16xf32> to vector<16xf32>
        %parallel_loop3A_310 = vector.shape_cast %parallel_loop3A_304 : vector<16xf32> to vector<16xf32>
        tpu.vector_store %arg17[%parallel_loop3A_307], %parallel_loop3A_310 {strides = array<i32>} : memref<1024xf32, #tpu.memory_space<vmem>>, vector<16xf32>,
        %parallel_loop3A_311 = arith.constant 0.0666666701 : f32
        %parallel_loop3A_312 = vector.broadcast %parallel_loop3A_311 : f32 to vector<16xf32>
        %parallel_loop3A_313 = arith.mulf %parallel_loop3A_274#3, %parallel_loop3A_312 : vector<16xf32>
        %parallel_loop3A_314 = arith.constant 80 : i32
        %parallel_loop3A_315 = arith.addi %parallel_loop3A_241, %parallel_loop3A_314 : i32
        %parallel_loop3A_316 = arith.index_cast %parallel_loop3A_315 : i32 to index
        %parallel_loop3A_317 = tpu.vector_load %arg17[%parallel_loop3A_316] {strides = array<i32>} : memref<1024xf32, #tpu.memory_space<vmem>>, vector<16xf32>,
        %parallel_loop3A_318 = vector.shape_cast %parallel_loop3A_317 : vector<16xf32> to vector<16xf32>
        %parallel_loop3A_319 = vector.shape_cast %parallel_loop3A_313 : vector<16xf32> to vector<16xf32>
        tpu.vector_store %arg17[%parallel_loop3A_316], %parallel_loop3A_319 {strides = array<i32>} : memref<1024xf32, #tpu.memory_space<vmem>>, vector<16xf32>,
        %parallel_loop3A_320 = arith.constant 0.0666666701 : f32
        %parallel_loop3A_321 = vector.broadcast %parallel_loop3A_320 : f32 to vector<16xf32>
        %parallel_loop3A_322 = arith.mulf %parallel_loop3A_274#4, %parallel_loop3A_321 : vector<16xf32>
        %parallel_loop3A_323 = arith.constant 96 : i32
        %parallel_loop3A_324 = arith.addi %parallel_loop3A_241, %parallel_loop3A_323 : i32
        %parallel_loop3A_325 = arith.index_cast %parallel_loop3A_324 : i32 to index
        %parallel_loop3A_326 = tpu.vector_load %arg17[%parallel_loop3A_325] {strides = array<i32>} : memref<1024xf32, #tpu.memory_space<vmem>>, vector<16xf32>,
        %parallel_loop3A_327 = vector.shape_cast %parallel_loop3A_326 : vector<16xf32> to vector<16xf32>
        %parallel_loop3A_328 = vector.shape_cast %parallel_loop3A_322 : vector<16xf32> to vector<16xf32>
        tpu.vector_store %arg17[%parallel_loop3A_325], %parallel_loop3A_328 {strides = array<i32>} : memref<1024xf32, #tpu.memory_space<vmem>>, vector<16xf32>,
        %parallel_loop3A_329 = arith.constant 0.0666666701 : f32
        %parallel_loop3A_330 = vector.broadcast %parallel_loop3A_329 : f32 to vector<16xf32>
        %parallel_loop3A_331 = arith.mulf %parallel_loop3A_274#5, %parallel_loop3A_330 : vector<16xf32>
        %parallel_loop3A_332 = arith.constant 112 : i32
        %parallel_loop3A_333 = arith.addi %parallel_loop3A_241, %parallel_loop3A_332 : i32
        %parallel_loop3A_334 = arith.index_cast %parallel_loop3A_333 : i32 to index
        %parallel_loop3A_335 = tpu.vector_load %arg17[%parallel_loop3A_334] {strides = array<i32>} : memref<1024xf32, #tpu.memory_space<vmem>>, vector<16xf32>,
        %parallel_loop3A_336 = vector.shape_cast %parallel_loop3A_335 : vector<16xf32> to vector<16xf32>
        %parallel_loop3A_337 = vector.shape_cast %parallel_loop3A_331 : vector<16xf32> to vector<16xf32>
        tpu.vector_store %arg17[%parallel_loop3A_334], %parallel_loop3A_337 {strides = array<i32>} : memref<1024xf32, #tpu.memory_space<vmem>>, vector<16xf32>,
      } {sc.loop_unroll_factor = 2 : i64, sc.parallel_access}
      %mul3A_230 = arith.constant 256 : i32
      %mul3A_231 = arith.muli %add3A, %mul3A_230 : i32
      %mul3A_232 = arith.constant 8 : i32
      %mul3A_233 = arith.muli %scan3A_156, %mul3A_232 : i32
      %add3A_234 = arith.addi %mul3A_231, %mul3A_233 : i32
      %mul3A_235 = arith.constant 128 : i32
      %mul3A_236 = arith.muli %add3A_234, %mul3A_235 : i32
      %multiple_of3A_237 = tpu.assume_multiple %mul3A_236, 1024 : i32
      "tpu.region"() ({
        %run_scoped3A = tpu.sem_alloc : memref<!tpu.dma_semaphore, #tpu.memory_space<semaphore_mem>>
        %dma_start3A_239 = tpu.memref_slice %arg7[%multiple_of3A_237] : memref<1048576xf32, #tpu.memory_space<hbm>> -> memref<1024xf32, #tpu.memory_space<hbm>>
        %dma_start3A_240 = tpu.memref_slice %arg7[%multiple_of3A_237] : memref<1048576xf32, #tpu.memory_space<hbm>> -> memref<1024xf32, #tpu.memory_space<hbm>>
        tpu.enqueue_dma source(%arg17 : memref<1024xf32, #tpu.memory_space<vmem>>) target(%dma_start3A_240 : memref<1024xf32, #tpu.memory_space<hbm>>) target_semaphore(%run_scoped3A : memref<!tpu.dma_semaphore, #tpu.memory_space<semaphore_mem>>)
        %dma_wait3A_241 = tpu.memref_slice %arg7[%multiple_of3A_237] : memref<1048576xf32, #tpu.memory_space<hbm>> -> memref<1024xf32, #tpu.memory_space<hbm>>
        %dma_wait3A_242 = tpu.memref_slice %arg7[%multiple_of3A_237] : memref<1048576xf32, #tpu.memory_space<hbm>> -> memref<1024xf32, #tpu.memory_space<hbm>>
        tpu.wait_dma2 semaphore(%run_scoped3A : memref<!tpu.dma_semaphore, #tpu.memory_space<semaphore_mem>>) src(%arg17 : memref<1024xf32, #tpu.memory_space<vmem>>) dst(%dma_wait3A_242 : memref<1024xf32, #tpu.memory_space<hbm>>)
        tpu.yield
      }) : () -> ()
      %scan3A_238 = arith.constant 0 : i32
      scf.yield %scan3A_238 : i32
    }
    %scan3A_155 = arith.constant 32 : i32
    return
  }
}

module attributes {stable_mosaic.version = 14 : i64} {
  func.func @_out_body(%arg0: i32, %arg1: memref<1024x128xf32, #tpu.memory_space<vmem>>, %arg2: memref<128x128xf32, #tpu.memory_space<vmem>>, %arg3: memref<1x128xf32, #tpu.memory_space<vmem>>, %arg4: memref<1024x128xf32, #tpu.memory_space<vmem>>) attributes {dimension_semantics = [#tpu.dimension_semantics<arbitrary>], iteration_bounds = array<i64: 8>, scalar_prefetch = 0 : i64, scratch_operands = 0 : i64, tpu.core_type = #tpu.core_type<tc>, window_params = [{transform_indices = @transform_0, window_bounds = array<i64: 1024, 128>}, {pipeline_mode = #tpu.pipeline_mode<synchronous>, transform_indices = @transform_1, window_bounds = array<i64: 128, 128>}, {pipeline_mode = #tpu.pipeline_mode<synchronous>, transform_indices = @transform_2, window_bounds = array<i64: 1, 128>}, {transform_indices = @transform_3, window_bounds = array<i64: 1024, 128>}]} {
    %get3A = arith.constant 0 : index
    %get3A_0 = arith.constant 0 : index
    %get3A_1 = vector.load %arg1[%get3A, %get3A_0] : memref<1024x128xf32, #tpu.memory_space<vmem>>, vector<1024x128xf32>
    %get3A_2 = arith.constant 0 : index
    %get3A_3 = arith.constant 0 : index
    %get3A_4 = vector.load %arg2[%get3A_2, %get3A_3] : memref<128x128xf32, #tpu.memory_space<vmem>>, vector<128x128xf32>
    %dot_general3A = arith.constant dense<0.000000e+00> : vector<1024x128xf32>
    %dot_general3A_5 = tpu.matmul %get3A_1, %get3A_4, %dot_general3A {dimension_numbers = #tpu.dot_dimension_numbers<[1], [0], [0], [1], [0, 0, 1, 1], [], []>, transpose_lhs_hint = false} : vector<1024x128xf32>, vector<128x128xf32>, vector<1024x128xf32> -> vector<1024x128xf32>
    %get3A_6 = arith.constant 0 : index
    %get3A_7 = arith.constant 0 : index
    %get3A_8 = vector.load %arg3[%get3A_6, %get3A_7] : memref<1x128xf32, #tpu.memory_space<vmem>>, vector<1x128xf32>
    %add3A = vector.broadcast %get3A_8 : vector<1x128xf32> to vector<1024x128xf32>
    %add3A_9 = arith.addf %dot_general3A_5, %add3A : vector<1024x128xf32>
    %swap3A = arith.constant 0 : index
    %swap3A_10 = arith.constant 0 : index
    %swap3A_11 = vector.load %arg4[%swap3A, %swap3A_10] : memref<1024x128xf32, #tpu.memory_space<vmem>>, vector<1024x128xf32>
    tpu.vector_store %arg4[%swap3A, %swap3A_10], %add3A_9 {strides = array<i32>} : memref<1024x128xf32, #tpu.memory_space<vmem>>, vector<1024x128xf32>,
    return
  }
  func.func @transform_0(%arg0: i32) -> (i32, i32) {
    %c0_i32 = arith.constant 0 : i32
    %c0_i32_0 = arith.constant 0 : i32
    return %arg0, %c0_i32 : i32, i32
  }
  func.func @transform_1(%arg0: i32) -> (i32, i32) {
    %c0_i32 = arith.constant 0 : i32
    %c0_i32_0 = arith.constant 0 : i32
    %c0_i32_1 = arith.constant 0 : i32
    return %c0_i32, %c0_i32_0 : i32, i32
  }
  func.func @transform_2(%arg0: i32) -> (i32, i32) {
    %c0_i32 = arith.constant 0 : i32
    %c0_i32_0 = arith.constant 0 : i32
    %c0_i32_1 = arith.constant 0 : i32
    return %c0_i32, %c0_i32_0 : i32, i32
  }
  func.func @transform_3(%arg0: i32) -> (i32, i32) {
    %c0_i32 = arith.constant 0 : i32
    %c0_i32_0 = arith.constant 0 : i32
    return %arg0, %c0_i32 : i32, i32
  }
}

module attributes {stable_mosaic.version = 14 : i64} {
  func.func @_proj_body(%arg0: i32, %arg1: memref<10000x128xf32, #tpu.memory_space<vmem>>, %arg2: memref<128x128xf32, #tpu.memory_space<vmem>>, %arg3: memref<10000x128xf32, #tpu.memory_space<vmem>>) attributes {dimension_semantics = [#tpu.dimension_semantics<arbitrary>], iteration_bounds = array<i64: 10>, scalar_prefetch = 0 : i64, scratch_operands = 0 : i64, tpu.core_type = #tpu.core_type<tc>, window_params = [{transform_indices = @transform_0, window_bounds = array<i64: 10000, 128>}, {pipeline_mode = #tpu.pipeline_mode<synchronous>, transform_indices = @transform_1, window_bounds = array<i64: 128, 128>}, {transform_indices = @transform_2, window_bounds = array<i64: 10000, 128>}]} {
    %get3A = arith.constant 0 : index
    %get3A_0 = arith.constant 0 : index
    %get3A_1 = vector.load %arg1[%get3A, %get3A_0] : memref<10000x128xf32, #tpu.memory_space<vmem>>, vector<10000x128xf32>
    %get3A_2 = arith.constant 0 : index
    %get3A_3 = arith.constant 0 : index
    %get3A_4 = vector.load %arg2[%get3A_2, %get3A_3] : memref<128x128xf32, #tpu.memory_space<vmem>>, vector<128x128xf32>
    %dot_general3A = arith.constant dense<0.000000e+00> : vector<10000x128xf32>
    %dot_general3A_5 = tpu.matmul %get3A_1, %get3A_4, %dot_general3A {dimension_numbers = #tpu.dot_dimension_numbers<[1], [0], [0], [1], [0, 0, 1, 1], [], []>, transpose_lhs_hint = false} : vector<10000x128xf32>, vector<128x128xf32>, vector<10000x128xf32> -> vector<10000x128xf32>
    %swap3A = arith.constant 0 : index
    %swap3A_6 = arith.constant 0 : index
    %swap3A_7 = vector.load %arg3[%swap3A, %swap3A_6] : memref<10000x128xf32, #tpu.memory_space<vmem>>, vector<10000x128xf32>
    tpu.vector_store %arg3[%swap3A, %swap3A_6], %dot_general3A_5 {strides = array<i32>} : memref<10000x128xf32, #tpu.memory_space<vmem>>, vector<10000x128xf32>,
    return
  }
  func.func @transform_0(%arg0: i32) -> (i32, i32) {
    %c0_i32 = arith.constant 0 : i32
    %c0_i32_0 = arith.constant 0 : i32
    return %arg0, %c0_i32 : i32, i32
  }
  func.func @transform_1(%arg0: i32) -> (i32, i32) {
    %c0_i32 = arith.constant 0 : i32
    %c0_i32_0 = arith.constant 0 : i32
    %c0_i32_1 = arith.constant 0 : i32
    return %c0_i32, %c0_i32_0 : i32, i32
  }
  func.func @transform_2(%arg0: i32) -> (i32, i32) {
    %c0_i32 = arith.constant 0 : i32
    %c0_i32_0 = arith.constant 0 : i32
    return %arg0, %c0_i32 : i32, i32
  }
}

</mosaic_0001>

<sc_bundles>
// kernel: kernel.5.cloned.1.call-start
scs
__scs_entry_jumppad:
0x0: {  	(pc) =	sbr.rel $0x88, $3  }
0x1: {  	(tag) =	ssettag $0x0;
	lr =	simm.s32 $0x1  }
0x2: {  	[smem:$0x3F97] =	sst lr;
	_ =	strace $0xD0000000  }
0x3: {  	_ = 	snop  }
0x4: {  	_ = 	snop  }
0x5: {  	_ = 	snop  }
0x6: {  	_ = 	snop  }
0x7: {  	_ = 	snop  }
__scs_overlays_trampoline_lowered:
0x8: {  	[smem:$0x3FA6] =	sst s0  }
0x9: {  	[smem:$0x3FA7] =	sst s1  }
0xa: {  	[smem:$0x3FA8] =	sst s2  }
0xb: {  	[smem:$0x3FA9] =	sst s3  }
0xc: {  	[smem:$0x3FAA] =	sst s4  }
0xd: {  	[smem:$0x3FAB] =	sst s5  }
0xe: {  	[smem:$0x3FAC] =	sst s6  }
0xf: {  	[smem:$0x3FAD] =	sst s7  }
0x10: {  	[smem:$0x3FAE] =	sst s8  }
0x11: {  	[smem:$0x3FAF] =	sst s9;
	s0 =	simm.s32 @!p0 $0x0  }
0x12: {  	s1 =	sld [smem:$0x3F95];
	s0 =	simm.s32 @p0 $0x1  }
0x13: {  	[smem:$0x3FB0] =	sst s0;
	s0 =	simm.s32 @!p1 $0x0  }
0x14: {  	s2 =	sld [smem:$0x3F94];
	s0 =	simm.s32 @p1 $0x1  }
0x15: {  	[smem:$0x3FB1] =	sst s0;
	s0 =	simm.s32 @!p2 $0x0  }
0x16: {  	s3 =	sld [smem:$0x3FDB];
	s0 =	simm.s32 @p2 $0x1  }
0x17: {  	s4 =	simm.s32 $0x1BF5;
	[smem:$0x3FB3] =	sst s0  }
0x18: {  	s0 =	sld [smem:$0x3F96];
	_ =	swait.ge [sflag:s4], $0x0  }
0x19: {  	s7 =	sld [smem:$0x3F97]  }
0x1a: {  	s8 =	sadd.s32 $0xFFFFE003, lr  }
0x1b: {  	s9 =	sadd.s32 $0xFFFFFEF7, lr;
	s5 =	simm.s32 $0xFFFFFFFF;
	p2 =	slt.u32 s8, $0xFFFFF086  }
0x1c: {  	p1 =	slt.u32 s9, $0xF7A;
	s5 =	simm.s32 @!p2 $0x0  }
0x1d: {  	s5 =	simm.s32 @p1 $0x1;
	p0 =	seq.s32 s7, s2  }
0x1e: {  	s7 =	smul.u32 @!p0 $0xF7A, s2;
	p2 =	seq.s32 @!p0 s5, $0x0  }
0x1f: {  	s9 =	smul.u32 $0xF7A, s1;
	s8 =	simm.s32 @!p0 $0x1BF5;
	p2 =	por !p2, p0  }
0x20: {  	[sflag:s8] =	ssyncset.s32 @!p0 $0xFFFFF086;
	s6 =	sadd.s32 @!p0 s3, s7;
	s7 =	simm.s32 @!p0 $0x108  }
0x21: {  	s3 =	sadd.s32 s3, s9;
	s6 =	sadd.s32 @!p0 $0x88, s6;
	s7 =	simm.s32 @p2 $0x1082  }
0x22: {  	[simem:s7], [sflag:s8] =	dma.local @!p0 [hbm:s6], $0xF7A  }
0x23: {  	s9 =	sor.u32 $0xD0000000, s2;
	s6 =	simm.s32 $0x108;
	_ =	swait.ge @!p0 [sflag:s8], $0x0  }
0x24: {  	s3 =	sadd.s32 $0x88, s3;
	s6 =	simm.s32 @!p1 $0x1082;
	[sflag:s4] =	ssyncset.s32 $0xFFFFF086  }
0x25: {  	[simem:s6], [sflag:s4] =	dma.local [hbm:s3], $0xF7A  }
0x26: {  	[smem:$0x3F97] =	sst s1;
	(tag) =	ssettag s2;
	_ =	strace s9  }
0x27: {  	s1 =	sld [smem:$0x3FA7]  }
0x28: {  	s2 =	sld [smem:$0x3FA8]  }
0x29: {  	s4 =	sld [smem:$0x3FAA]  }
0x2a: {  	p0 =	seq.s32 s5, $0x0;
	s5 =	sld [smem:$0x3FAB]  }
0x2b: {  	s6 =	sld [smem:$0x3FAC]  }
0x2c: {  	s7 =	sld [smem:$0x3FAD]  }
0x2d: {  	s3 =	simm.s32 $0x108;
	s8 =	sld [smem:$0x3FAE]  }
0x2e: {  	s3 =	simm.s32 @!p0 $0x1082;
	s9 =	sld [smem:$0x3FAF]  }
0x2f: {  	lr =	sadd.s32 s0, s3;
	s0 =	sld [smem:$0x3FA6]  }
0x30: {  	s3 =	sld [smem:$0x3FA9]  }
0x31: {  	[smem:$0x3FB2] =	sst s10  }
0x32: {  	s10 =	sld [smem:$0x3FB0];
	_ =	sdelay $0x3  }
0x33: {  	p0 =	seq.s32 s10, $0x1;
	s10 =	sld [smem:$0x3FB2];
	_ =	sdelay $0x3  }
0x34: {  	[smem:$0x3FB2] =	sst s10  }
0x35: {  	s10 =	sld [smem:$0x3FB1];
	_ =	sdelay $0x3  }
0x36: {  	p1 =	seq.s32 s10, $0x1;
	s10 =	sld [smem:$0x3FB2];
	_ =	sdelay $0x3  }
0x37: {  	[smem:$0x3FB2] =	sst s10  }
0x38: {  	s10 =	sld [smem:$0x3FB3]  }
0x39: {  	_ = 	snop;
	(pc) =	sbr.ind lr, $3  }
0x3a: {  	_ = 	snop  }
0x3b: {  	_ = 	snop  }
0x3c: {  	p2 =	seq.s32 s10, $0x1;
	s10 =	sld [smem:$0x3FB2]  }
0x3d: {  	_ =	shalt  }
0x3e: {  	_ =	shalt  }
0x3f: {  	_ =	shalt  }
0x40: {  	_ =	shalt  }
0x41: {  	_ =	shalt  }
0x42: {  	_ =	shalt  }
0x43: {  	_ =	shalt  }
0x44: {  	_ =	shalt  }
0x45: {  	_ =	shalt  }
0x46: {  	_ =	shalt  }
0x47: {  	_ =	shalt  }
0x48: {  	_ =	shalt  }
0x49: {  	_ =	shalt  }
0x4a: {  	_ =	shalt  }
0x4b: {  	_ =	shalt  }
0x4c: {  	_ =	shalt  }
0x4d: {  	_ =	shalt  }
0x4e: {  	_ =	shalt  }
0x4f: {  	_ =	shalt  }
0x50: {  	_ =	shalt  }
0x51: {  	_ =	shalt  }
0x52: {  	_ =	shalt  }
0x53: {  	_ =	shalt  }
0x54: {  	_ =	shalt  }
0x55: {  	_ =	shalt  }
0x56: {  	_ =	shalt  }
0x57: {  	_ =	shalt  }
0x58: {  	_ =	shalt  }
0x59: {  	_ =	shalt  }
0x5a: {  	_ =	shalt  }
0x5b: {  	_ =	shalt  }
0x5c: {  	_ =	shalt  }
0x5d: {  	_ =	shalt  }
0x5e: {  	_ =	shalt  }
0x5f: {  	_ =	shalt  }
0x60: {  	_ =	shalt  }
0x61: {  	_ =	shalt  }
0x62: {  	_ =	shalt  }
0x63: {  	_ =	shalt  }
0x64: {  	_ =	shalt  }
0x65: {  	_ =	shalt  }
0x66: {  	_ =	shalt  }
0x67: {  	_ =	shalt  }
0x68: {  	_ =	shalt  }
0x69: {  	_ =	shalt  }
0x6a: {  	_ =	shalt  }
0x6b: {  	_ =	shalt  }
0x6c: {  	_ =	shalt  }
0x6d: {  	_ =	shalt  }
0x6e: {  	_ =	shalt  }
0x6f: {  	_ =	shalt  }
0x70: {  	_ =	shalt  }
0x71: {  	_ =	shalt  }
0x72: {  	_ =	shalt  }
0x73: {  	_ =	shalt  }
0x74: {  	_ =	shalt  }
0x75: {  	_ =	shalt  }
0x76: {  	_ =	shalt  }
0x77: {  	_ =	shalt  }
0x78: {  	_ =	shalt  }
0x79: {  	_ =	shalt  }
0x7a: {  	_ =	shalt  }
0x7b: {  	_ =	shalt  }
0x7c: {  	_ =	shalt  }
0x7d: {  	_ =	shalt  }
0x7e: {  	_ =	shalt  }
0x7f: {  	_ =	shalt  }
0x80: {  	_ =	shalt  }
0x81: {  	_ =	shalt  }
0x82: {  	_ =	shalt  }
0x83: {  	_ =	shalt  }
0x84: {  	_ =	shalt  }
0x85: {  	_ =	shalt  }
0x86: {  	_ =	shalt  }
0x87: {  	_ =	shalt  }
.Lfunc_end0:
.L_simem_size_0:
called_computation_lowered:
.L_overlay_start_0:
0x88: {  	s2 =	sld [smem:$0x3FD9]  }
0x89: {  	s3 =	sld [smem:$0x3FFE];
	_ =	sdelay $0x1  }
0x8a: {  	s1 =	srdreg.scid  }
0x8b: {  	s0 =	sand.u32 $0x1, s1  }
0x8c: {  	s17 =	sshll.u32 s0, $0xA;
	s2 =	sadd.s32 s3, s2  }
0x8d: {  	s2 =	sadd.s32 s2, s17  }
0x8e: {  	[smem:$0x3FBE] =	sst s2  }
0x8f: {  	_ = 	snop  }
0x90: {  	s2 =	sld [smem:$0x3FC8]  }
0x91: {  	s18 =	sld [smem:$0x3FC7]  }
0x92: {  	s4 =	sld [smem:$0x3FC6]  }
0x93: {  	s5 =	sld [smem:$0x3FC3]  }
0x94: {  	s6 =	sld [smem:$0x3FD0];
	(tm) =	ssettm $0x1  }
0x95: {  	s7 =	sld [smem:$0x3FFB];
	_ =	sdelay $0x3  }
0x96: {  	_ =	strace s7  }
0x97: {  	s7 =	sld [smem:$0x3FFC];
	_ =	sdelay $0x3  }
0x98: {  	_ =	strace s7  }
0x99: {  	s7 =	sld [smem:$0x3FFD];
	_ =	sdelay $0x3  }
0x9a: {  	_ =	strace s7  }
0x9b: {  	_ =	strace $0x8FFFFFFF  }
0x9c: {  	s19 =	sld [smem:$0x3FDB];
	_ =	sdelay $0x1  }
0x9d: {  	s8 =	simm.s32 $_scs_section_size  }
0x9e: {  	s9 =	simm.s32 $_size__tile_overlayer_lowered;
	s10 =	simm.s32 $_tile_overlayer_lowered  }
0x9f: {  	s22 =	simm.s32 $0x1BFF;
	s21 =	sshll.u32 s10, $0x1;
	s7 =	sadd.s32 s8, s19  }
0xa0: {  	s11 =	simm.s32 $0x0;
	s20 =	sshll.u32 s9, $0x1;
	s9 =	sadd.s32 s21, s7  }
0xa1: {  	[timem:s11], [sflag:s22] =	dma.local [hbm:s9], s20  }
0xa2: {  	_ =	swait.ge [sflag:s22], s20  }
0xa3: {  	s8 =	ssub.s32 $0x0, s20;
	[sflag:s22] =	ssyncset.done $0x0  }
0xa4: {  	[sflag:s22] =	ssyncadd.s32 s8;
	_ =	sdelay $0x1  }
0xa5: {  	s23 =	simm.s32 $0x1B8B  }
0xa6: {  	_ =	swait.ge [sflag:s23], $0x1  }
0xa7: {  	[sflag:s23] =	ssyncset.done $0x0  }
0xa8: {  	s25 =	simm.s32 $0x1B8E;
	s24 =	sld [smem:$0x3FFE];
	[sflag:s23] =	ssyncadd.s32 $0xFFFFFFFF  }
0xa9: {  	s26 =	simm.s32 $execute0_lowered;
	[smem:$0x3FD2] =	sst s25  }
0xaa: {  	s9 =	sshll.u32 s26, $0x1;
	_ =	strace $0x80000046;
	[dreg:$0x1] =	wrdreg $0xFFFFFFFF  }
0xab: {  	s28 =	simm.s32 $_size_execute0_lowered;
	s7 =	sadd.s32 s7, s9;
	[dreg:$0x0] =	wrdreg $0x0  }
0xac: {  	s9 =	sshll.u32 s28, $0x1;
	[dreg:$0x2] =	wrdreg s7  }
0xad: {  	[dreg:$0x3] =	wrdreg s9  }
0xae: {  	[dreg:$0x4] =	wrdreg $0xC0  }
0xaf: {  	_ =	task [dreg:s11], $0x5FFFF  }
0xb0: {  	[dreg:$0x1] =	wrdreg $0xFFFFFFFF  }
0xb1: {  	[dreg:$0x0] =	wrdreg $0x60  }
0xb2: {  	[dreg:$0x2] =	wrdreg s24  }
0xb3: {  	[dreg:$0x3] =	wrdreg s2  }
0xb4: {  	[dreg:$0x4] =	wrdreg s18  }
0xb5: {  	[dreg:$0x5] =	wrdreg s4  }
0xb6: {  	[dreg:$0x6] =	wrdreg s5  }
0xb7: {  	[dreg:$0x7] =	wrdreg s6  }
0xb8: {  	[dreg:$0x8] =	wrdreg $0x9  }
0xb9: {  	_ =	task.clear_ibuf [dreg:s11], $0x9FFFF;
	_ =	strace $0x90000046  }
0xba: {  	s29 =	simm.s32 $0x9;
	_ =	strace $0x80000048  }
0xbb: {  	_ =	swait.ge [sflag:s29], $0x1  }
0xbc: {  	[sflag:s29] =	ssyncadd.s32 $0xFFFFFFFF  }
0xbd: {  	_ =	strace $0x90000048  }
0xbe: {  	_ =	sfence  }
0xbf: {  	s30 =	sld [smem:$0x0];
	_ =	sdelay $0x2  }
0xc0: {  	s31 =	sshll.u32 s1, $0xD;
	s1 =	sshrl.u32 s1, $0x2  }
0xc1: {  	s3 =	sand.u32 $0x4000, s31;
	s1 =	sadd.s32 s1, s30  }
0xc2: {  	s0 =	sor.u32 s3, s0;
	s1 =	sshll.u32 s1, $0x11  }
0xc3: {  	s0 =	sor.u32 s1, s0  }
0xc4: {  	s0 =	sadd.s32 $0x8F2B, s0  }
0xc5: {  	[sflag:s0] =	ssyncadd.remote.s32 $0x1  }
0xc6: {  	_ =	sfence.sel $0xFFFF  }
0xc7: {  	[dreg:$0x0] =	wrdreg $0xFFFFFFFF;
	(pc) =	sbr.abs _section_cstart, $3  }
0xc8: {  	[dreg:$0x1] =	wrdreg $0xFFFFFFFF  }
0xc9: {  	_ =	task.clear_ibuf [dreg:s11], $0x2FFFF;
	_ =	strace $0x9FFFFFFF  }
0xca: {  	(tm) =	ssettm $0x7FFFFFFF  }
0xcb: {  	_ =	shalt  }
tec
execute0_lowered:
.L_overlay_start_1:
0x0: {  	(tag) =	ssettag $0x1  }
0x1: {  	s0 =	rddreg [dreg:$0x0]  }
0x2: {  	s1 =	rddreg [dreg:$0x1]  }
0x3: {  	s2 =	rddreg [dreg:$0x2]  }
0x4: {  	s7 =	rddreg [dreg:$0x3]  }
0x5: {  	s8 =	rddreg [dreg:$0x5];
	s3 =	simm.s32 $0x0  }
0x6: {  	s4 =	srdreg.scid;
	s5 =	stileid.u32;
	s12 =	simm.s32 $0x100  }
0x7: {  	s13 =	simm.s32 $0x1F00;
	s16 =	simm.s32 $0x78;
	s28 =	simm.s32 $0x20E0  }
0x8: {  	s29 =	simm.s32 $0xE400;
	s30 =	simm.s32 $0x13E40;
	s31 =	simm.s32 $0x0  }
0x9: {  	[smem:$0x7FF] =	sst s3;
	s4 =	sand.u32 $0x1, s4;
	s5 =	sshll.u32 s5, $0x1  }
0xa: {  	_ =	strace $0x80000047;
	s6 =	ssub.s32 $0x2, s4;
	s9 =	sor.u32 s4, s5  }
0xb: {  	s4 =	sadd.s32 $0xC00, s0;
	s25 =	sshrl.u32 s6, $0x1;
	s10 =	smul.u32 $0x1E0, s9  }
0xc: {  	s5 =	sshll.u32 s9, $0x5;
	s11 =	smul.u32 $0x960, s9;
	s26 =	sshll.u32 s9, $0xC  }
0xd: {  	s0 =	ssub.s32 s6, s25;
	s5 =	sadd.s32 s1, s5;
	s8 =	sadd.s32 s8, s26  }
0xe: {  	s25 =	simm.s32 $0x2068;
	s26 =	simm.s32 $0xD500;
	s6 =	sadd.s32 s2, s10  }
0xf: {  	s7 =	sadd.s32 s7, s11;
	s9 =	smax.u32 s0, $0x1;
	s11 =	simm.s32 $0x3  }
.LBB2_1:
0x10: {  	s0 =	rddreg [dreg:$0x4];
	s1 =	simm.s32 $0x13E00  }
0x11: {  	[tilespmem:s1], [sflag:$0x3] =	stream.linear.gather [hbm4b:s0+s3], $0x40, $0x38;
	[tilespmem:$0x14240] =	vst v63  }
0x12: {  	_ =	swait.ge [sflag:s11], $0x40  }
0x13: {  	[sflag:s11] =	ssyncset.done $0x0  }
0x14: {  	[sflag:s11] =	ssyncadd.s32 $0xFFFFFFC0  }
0x15: {  	v0 =	vld [tilespmem:$0x13E00]  }
0x16: {  	v1 =	vld [tilespmem:$0x13E10]  }
0x17: {  	v2 =	vld [tilespmem:$0x13E20]  }
0x18: {  	v3 =	vld [tilespmem:$0x13E30];
	[tilespmem:s3], [sflag:$0x3] =	stream.linear.gather [hbm4b:s5+s3], $0x100, $0x38  }
0x19: {  	_ =	swait.ge [sflag:s11], $0x100  }
0x1a: {  	[sflag:s11] =	ssyncset.done $0x0  }
0x1b: {  	[sflag:s11] =	ssyncadd.s32 $0xFFFFFF00  }
0x1c: {  	[tilespmem:s12], [sflag:$0x3] =	stream.linear.gather [hbm4b:s6+s3], $0xF00, $0x38;
	[tilespmem:$0x14240] =	vst v63  }
0x1d: {  	_ =	swait.ge [sflag:s11], $0xF00  }
0x1e: {  	[sflag:s11] =	ssyncset.done $0x0  }
0x1f: {  	[sflag:s11] =	ssyncadd.s32 $0xFFFFF100  }
0x20: {  	[tilespmem:s13], [sflag:$0x3] =	stream.linear.gather [hbm4b:s7+s3], $0x4B00, $0x38;
	[tilespmem:$0x14240] =	vst v63  }
0x21: {  	_ =	swait.ge [sflag:s11], $0x4B00  }
0x22: {  	[sflag:s11] =	ssyncset.done $0x0  }
0x23: {  	s2 =	simm.s32 $0x10;
	[sflag:s11] =	ssyncadd.s32 $0xFFFFB500  }
0x24: {  	v4 =	vld [tilespmem:s2+$0xFFFFFFF0]  }
0x25: {  	v5 =	vld [tilespmem:s2+$0x0];
	_ =	sdelay $0x3  }
0x26: {  	s0 =	simm.s32 $0x30;
	v6 =	vshll.u32 v4, $0x2  }
0x27: {  	s10 =	simm.s32 $0x2;
	v4 =	vld [tilespmem:s0+$0xFFFFFFF0];
	v5 =	vshll.u32 v5, $0x2;
	[tilespmem:s2+$0xFFFFFFF0] =	vst v6  }
.LBB2_2:
0x28: {  	s10 =	sadd.s32 $0x2, s10  }
0x29: {  	v6 =	vld [tilespmem:s0+$0x0];
	[tilespmem:s2+$0x0] =	vst v5;
	s1 =	simm.s32 $0x120;
	p0 =	slt.u32 s10, $0xE  }
.Ltmp0:
0x2a: {  	s2 =	smov.u32 s0;
	(pc) =	sbr.rel @p0 .LBB2_2-.Ltmp0, $3  }
0x2b: {  	_ =	sdelay $0x1  }
0x2c: {  	s0 =	sadd.s32 $0x20, s0;
	v5 =	vshll.u32 v4, $0x2  }
0x2d: {  	v4 =	vld [tilespmem:s0+$0xFFFFFFF0];
	[tilespmem:s2+$0xFFFFFFF0] =	vst v5;
	v5 =	vshll.u32 v6, $0x2  }
0x2e: {  	v6 =	vld [tilespmem:s0+$0x0];
	_ =	sdelay $0x3  }
0x2f: {  	[tilespmem:s2+$0x0] =	vst v5;
	v4 =	vshll.u32 v4, $0x2  }
0x30: {  	[tilespmem:s0+$0xFFFFFFF0] =	vst v4;
	v4 =	vshll.u32 v6, $0x2  }
0x31: {  	[tilespmem:s0+$0x0] =	vst v4  }
0x32: {  	v4 =	vld [tilespmem:s1+$0x10]  }
0x33: {  	v5 =	vld [tilespmem:s1+$0xFFFFFFF0]  }
0x34: {  	v9 =	vld [tilespmem:s1+$0x0]  }
0x35: {  	v7 =	vld [tilespmem:s1+$0xFFFFFFE0];
	_ =	sdelay $0x1  }
0x36: {  	v6 =	vshll.u32 v4, $0x2  }
0x37: {  	s2 =	simm.s32 $0x1020;
	v4 =	vshll.u32 v5, $0x2;
	v10 =	vor.u32 $0x1, v6  }
0x38: {  	s10 =	simm.s32 $0x0;
	s14 =	simm.s32 $0x160;
	v5 =	vshll.u32 v9, $0x2;
	v8 =	vor.u32 $0x1, v4;
	[tilespmem:s2+$0x10] =	vst v10  }
.LBB2_4:
0x39: {  	v9 =	vld [tilespmem:s14+$0x10];
	v10 =	vshll.u32 v7, $0x2;
	v11 =	vor.u32 $0x1, v5;
	[tilespmem:s1+$0x10] =	vst v6;
	s0 =	simm.s32 $0x1F20  }
0x3a: {  	s10 =	sadd.s32 $0x4, s10;
	v12 =	vld [tilespmem:s14+$0xFFFFFFF0];
	v6 =	vor.u32 $0x1, v10;
	[tilespmem:s2+$0xFFFFFFF0] =	vst v8  }
0x3b: {  	p0 =	slt.u32 s10, $0xEC;
	v13 =	vld [tilespmem:s14+$0x0];
	[tilespmem:s2+$0xFFFFFFE0] =	vst v6  }
.Ltmp1:
0x3c: {  	v7 =	vld [tilespmem:s14+$0xFFFFFFE0];
	[tilespmem:s1+$0xFFFFFFE0] =	vst v10;
	(pc) =	sbr.rel @p0 .LBB2_4-.Ltmp1, $4  }
0x3d: {  	[tilespmem:s1+$0xFFFFFFF0] =	vst v4  }
0x3e: {  	v6 =	vshll.u32 v9, $0x2;
	[tilespmem:s2+$0x0] =	vst v11  }
0x3f: {  	s2 =	sadd.s32 $0x40, s2;
	v4 =	vshll.u32 v12, $0x2;
	v9 =	vor.u32 $0x1, v6;
	[tilespmem:s1+$0x0] =	vst v5;
	s1 =	smov.u32 s14  }
0x40: {  	s14 =	sadd.s32 $0x40, s14;
	v8 =	vor.u32 $0x1, v4;
	v5 =	vshll.u32 v13, $0x2;
	[tilespmem:s2+$0x10] =	vst v9  }
0x41: {  	[tilespmem:s1+$0x10] =	vst v6  }
0x42: {  	v7 =	vshll.u32 v7, $0x2;
	[tilespmem:s2+$0xFFFFFFF0] =	vst v8  }
0x43: {  	v6 =	vor.u32 $0x1, v7;
	[tilespmem:s1+$0xFFFFFFF0] =	vst v4  }
0x44: {  	[tilespmem:s2+$0xFFFFFFE0] =	vst v6  }
0x45: {  	v6 =	vor.u32 $0x1, v5;
	[tilespmem:s1+$0xFFFFFFE0] =	vst v7  }
0x46: {  	[tilespmem:s2+$0x0] =	vst v6  }
0x47: {  	[tilespmem:s1+$0x0] =	vst v5  }
0x48: {  	v4 =	vld [tilespmem:s0+$0xFFFFFFE0]  }
0x49: {  	v7 =	vld [tilespmem:s0+$0x0]  }
0x4a: {  	v6 =	vld [tilespmem:s0+$0x10]  }
0x4b: {  	v8 =	vld [tilespmem:s0+$0xFFFFFFF0];
	_ =	sdelay $0x1  }
0x4c: {  	s1 =	simm.s32 $0x1F60;
	v4 =	vshll.u32 v4, $0x2  }
0x4d: {  	v5 =	vld [tilespmem:s1+$0xFFFFFFE0];
	v7 =	vshll.u32 v7, $0x2;
	v9 =	vor.u32 $0x1, v4  }
0x4e: {  	v6 =	vshll.u32 v6, $0x2;
	v4 =	vld [tilespmem:s1+$0x10];
	v10 =	vor.u32 $0x1, v7;
	[tilespmem:s0+$0xFFFFFFE0] =	vst v9  }
0x4f: {  	v8 =	vshll.u32 v8, $0x2;
	v7 =	vld [tilespmem:s1+$0xFFFFFFF0];
	v9 =	vor.u32 $0x1, v6;
	[tilespmem:s0+$0x0] =	vst v10  }
0x50: {  	s2 =	simm.s32 $0x4;
	v8 =	vor.u32 $0x1, v8;
	v6 =	vld [tilespmem:s1+$0x0];
	[tilespmem:s0+$0x10] =	vst v9  }
.LBB2_6:
0x51: {  	s2 =	sadd.s32 $0x4, s2  }
0x52: {  	[tilespmem:s0+$0xFFFFFFF0] =	vst v8;
	s0 =	smov.u32 s1;
	p0 =	slt.u32 s2, $0x4AC  }
.Ltmp2:
0x53: {  	s1 =	sadd.s32 $0x40, s1;
	v8 =	vshll.u32 v5, $0x2;
	(pc) =	sbr.rel @p0 .LBB2_6-.Ltmp2, $4  }
0x54: {  	v5 =	vld [tilespmem:s1+$0xFFFFFFE0];
	v8 =	vor.u32 $0x1, v8;
	v9 =	vshll.u32 v4, $0x2  }
0x55: {  	v4 =	vld [tilespmem:s1+$0x10];
	[tilespmem:s0+$0xFFFFFFE0] =	vst v8;
	v8 =	vshll.u32 v6, $0x2;
	v9 =	vor.u32 $0x1, v9  }
0x56: {  	v6 =	vld [tilespmem:s1+$0x0];
	v10 =	vshll.u32 v7, $0x2;
	v11 =	vor.u32 $0x1, v8;
	[tilespmem:s0+$0x10] =	vst v9  }
0x57: {  	v7 =	vld [tilespmem:s1+$0xFFFFFFF0];
	v8 =	vor.u32 $0x1, v10;
	[tilespmem:s0+$0x0] =	vst v11  }
0x58: {  	_ = 	snop  }
0x59: {  	v5 =	vshll.u32 v5, $0x2  }
0x5a: {  	[tilespmem:s0+$0xFFFFFFF0] =	vst v8;
	v5 =	vor.u32 $0x1, v5;
	v4 =	vshll.u32 v4, $0x2  }
0x5b: {  	[tilespmem:s1+$0xFFFFFFE0] =	vst v5;
	v5 =	vshll.u32 v6, $0x2;
	v4 =	vor.u32 $0x1, v4  }
0x5c: {  	v63 =	vshll.u32 v7, $0x2;
	v5 =	vor.u32 $0x1, v5;
	[tilespmem:s1+$0x10] =	vst v4  }
0x5d: {  	v4 =	vor.u32 $0x1, v63;
	[tilespmem:s1+$0x0] =	vst v5  }
0x5e: {  	s0 =	simm.s32 $0x0;
	s15 =	simm.s32 $0x8;
	s2 =	simm.s32 $0x6A00;
	[tilespmem:s1+$0xFFFFFFF0] =	vst v4  }
0x5f: {  	[tilespmem:s2], [sflag:$0x1] =	stream.indirect.gather [hbm4b:s4+s15], $0x20, s0, s15, $0xb8;
	[tilespmem:$0x14240] =	vst v63  }
0x60: {  	s17 =	simm.s32 $0x6C00  }
0x61: {  	[tilespmem:s17], [sflag:$0x1] =	stream.indirect.gather [hbm4b:s4+s16], $0x20, s12, s16, $0xb8;
	[tilespmem:$0x14240] =	vst v63  }
0x62: {  	s18 =	simm.s32 $0x1000;
	s19 =	simm.s32 $0x8A00  }
0x63: {  	[tilespmem:s19], [sflag:$0x1] =	stream.indirect.gather [hbm4b:s4+s16], $0x20, s18, s16, $0xb8;
	[tilespmem:$0x14240] =	vst v63  }
0x64: {  	s20 =	simm.s32 $0xA800  }
0x65: {  	[tilespmem:s20], [sflag:$0x1] =	stream.indirect.gather [hbm4b:s4+s16], $0x20, s13, s16, $0xb8;
	[tilespmem:$0x14240] =	vst v63  }
0x66: {  	s21 =	simm.s32 $0x1F78;
	s22 =	simm.s32 $0xB700  }
0x67: {  	[tilespmem:s22], [sflag:$0x1] =	stream.indirect.gather [hbm4b:s4+s16], $0x20, s21, s16, $0xb8;
	[tilespmem:$0x14240] =	vst v63  }
0x68: {  	s23 =	simm.s32 $0x1FF0;
	s24 =	simm.s32 $0xC600  }
0x69: {  	[tilespmem:s24], [sflag:$0x1] =	stream.indirect.gather [hbm4b:s4+s16], $0x20, s23, s16, $0xb8;
	[tilespmem:$0x14240] =	vst v63  }
0x6a: {  	_ = 	snop  }
0x6b: {  	[tilespmem:s26], [sflag:$0x1] =	stream.indirect.gather [hbm4b:s4+s16], $0x20, s25, s16, $0xb8;
	[tilespmem:$0x14240] =	vst v63  }
0x6c: {  	p0 =	por $0x0, $0x0  }
0x6d: {  	[tilespmem:s29], [sflag:$0x1] =	stream.indirect.gather [hbm4b:s4+s16], $0x20, s28, s16, $0xb8;
	[tilespmem:$0x14240] =	vst v63  }
.LBB2_8:
0x6e: {  	s17 =	sand.u32 $0x1, s0;
	p1 =	seq.s32 s0, $0x1F  }
0x6f: {  	s2 =	sadd.s32 $0x1, s0;
	s1 =	sxor.u32 @!p1 $0x1, s17  }
0x70: {  	s14 =	sshll.u32 @!p1 s2, $0x3;
	s15 =	smul.u32 @!p1 $0x78, s2;
	s19 =	simm.s32 @!p1 $0x8  }
0x71: {  	s10 =	sshll.u32 @!p1 s1, $0x8;
	s14 =	sand.u32 @!p1 $0x3FFFFFF8, s14;
	s20 =	smul.u32 @!p1 $0xF00, s1  }
0x72: {  	s18 =	sadd.s32 @!p1 $0x1, s1;
	s1 =	smul.u32 @!p1 $0x12C00, s1;
	s10 =	sor.u32 @!p1 $0x6A00, s10  }
0x73: {  	[tilespmem:s10], [sflag:s18] =	stream.indirect.gather @!p1 [hbm4b:s4+s19], $0x20, s14, s19, $0xb8;
	[tilespmem:$0x14240] =	vst v63  }
0x74: {  	s10 =	sadd.s32 @!p1 $0x6C00, s20;
	s14 =	sadd.s32 @!p1 $0x100, s15;
	s19 =	simm.s32 @!p1 $0x78  }
0x75: {  	[tilespmem:s10], [sflag:s18] =	stream.indirect.gather @!p1 [hbm4b:s4+s19], $0x20, s14, s19, $0xb8;
	[tilespmem:$0x14240] =	vst v63  }
0x76: {  	s10 =	sadd.s32 @!p1 $0x8A00, s20;
	s14 =	sadd.s32 @!p1 $0x1000, s15;
	s15 =	smul.u32 @!p1 $0x960, s2  }
0x77: {  	[tilespmem:s10], [sflag:s18] =	stream.indirect.gather @!p1 [hbm4b:s4+s19], $0x20, s14, s19, $0xb8;
	[tilespmem:$0x14240] =	vst v63  }
0x78: {  	s1 =	sshrl.u32 @!p1 s1, $0x2;
	s10 =	sshra.s32 @!p1 s15, $0x2  }
0x79: {  	s14 =	sadd.s32 @!p1 $0xA800, s1;
	s15 =	sadd.s32 @!p1 $0x1F00, s10  }
0x7a: {  	[tilespmem:s14], [sflag:s18] =	stream.indirect.gather @!p1 [hbm4b:s4+s19], $0x20, s15, s19, $0xb8;
	[tilespmem:$0x14240] =	vst v63  }
0x7b: {  	s14 =	sadd.s32 @!p1 $0xB700, s1;
	s15 =	sadd.s32 @!p1 $0x1F78, s10  }
0x7c: {  	[tilespmem:s14], [sflag:s18] =	stream.indirect.gather @!p1 [hbm4b:s4+s19], $0x20, s15, s19, $0xb8;
	[tilespmem:$0x14240] =	vst v63  }
0x7d: {  	s14 =	sadd.s32 @!p1 $0xC600, s1;
	s15 =	sadd.s32 @!p1 $0x1FF0, s10  }
0x7e: {  	[tilespmem:s14], [sflag:s18] =	stream.indirect.gather @!p1 [hbm4b:s4+s19], $0x20, s15, s19, $0xb8;
	[tilespmem:$0x14240] =	vst v63  }
0x7f: {  	s14 =	sadd.s32 @!p1 $0xD500, s1;
	s15 =	sadd.s32 @!p1 $0x2068, s10  }
0x80: {  	[tilespmem:s14], [sflag:s18] =	stream.indirect.gather @!p1 [hbm4b:s4+s19], $0x20, s15, s19, $0xb8;
	[tilespmem:$0x14240] =	vst v63  }
0x81: {  	s1 =	sadd.s32 @!p1 $0xE400, s1;
	s10 =	sadd.s32 @!p1 $0x20E0, s10  }
0x82: {  	[tilespmem:s1], [sflag:s18] =	stream.indirect.gather @!p1 [hbm4b:s4+s19], $0x20, s10, s19, $0xb8;
	[tilespmem:$0x14240] =	vst v63  }
0x83: {  	s19 =	sadd.s32 $0x1, s17  }
0x84: {  	_ =	swait.ge [sflag:s19], $0x100  }
0x85: {  	[sflag:s19] =	ssyncset.done $0x0  }
0x86: {  	s1 =	simm.s32 $0x1;
	[sflag:s19] =	ssyncadd.s32 $0xFFFFFF00  }
0x87: {  	s1 =	simm.s32 @!p0 $0x0;
	_ =	swait.ge [sflag:s19], $0xF00  }
0x88: {  	s21 =	smul.u32 $0x3C00, s1;
	[sflag:s19] =	ssyncset.done $0x0  }
0x89: {  	s22 =	smul.u32 $0x12C00, s1;
	[sflag:s19] =	ssyncadd.s32 $0xFFFFF100  }
0x8a: {  	s23 =	sshrl.u32 s21, $0x2;
	_ =	swait.ge [sflag:s19], $0xF00  }
0x8b: {  	s24 =	sshrl.u32 s22, $0x2;
	s21 =	sshll.u32 s17, $0x8;
	[sflag:s19] =	ssyncset.done $0x0  }
0x8c: {  	s1 =	sadd.s32 $0x6DF0, s23;
	s10 =	sadd.s32 $0x8BF0, s23;
	[sflag:s19] =	ssyncadd.s32 $0xFFFFF100  }
0x8d: {  	s14 =	sadd.s32 $0xB1F0, s24;
	s15 =	sadd.s32 $0x6C00, s23;
	_ =	swait.ge [sflag:s19], $0x4B00  }
0x8e: {  	s17 =	sadd.s32 $0x8A00, s23;
	s21 =	sor.u32 $0x6A00, s21;
	[sflag:s19] =	ssyncset.done $0x0  }
0x8f: {  	s18 =	sadd.s32 $0xA850, s24;
	v4 =	vmov s21;
	[sflag:s19] =	ssyncadd.s32 $0xFFFFB500;
	s19 =	simm.s32 $0x0  }
.LBB2_9:
0x90: {  	_ =	sdelay $0x1  }
0x91: {  	s20 =	sshll.u32 s19, $0x7  }
0x92: {  	s22 =	sshra.s32 s20, $0x2  }
0x93: {  	v5 =	vld.idx.msk [tilespmem:v4+s22+$0x0 ss:$0x1], $0xffff;
	_ =	sdelay $0x4  }
0x94: {  	v5 =	vadd.f32 v5, v0;
	_ =	sdelay $0x1  }
0x95: {  	s21 =	sand.u32 $0x3FFFFF80, s20;
	v5 =	vmax.f32 v5, $0.0e+00  }
0x96: {  	[tilespmem:s21+$0x13E40] =	vst v5  }
0x97: {  	v5 =	vld.idx.msk [tilespmem:v4+s22+$0x10 ss:$0x1], $0xffff;
	_ =	sdelay $0x4  }
0x98: {  	v5 =	vadd.f32 v5, v1;
	_ =	sdelay $0x1  }
0x99: {  	v5 =	vmax.f32 v5, $0.0e+00  }
0x9a: {  	[tilespmem:s21+$0x13E50] =	vst v5  }
0x9b: {  	v5 =	vld [tilespmem:s18+$0xFFFFFFC0]  }
0x9c: {  	v7 =	vld [tilespmem:s18+$0xFFFFFFE0]  }
0x9d: {  	v8 =	vld [tilespmem:s18+$0xFFFFFFD0]  }
0x9e: {  	v10 =	vld [tilespmem:s18+$0xFFFFFFB0]  }
0x9f: {  	v6 =	vmov s15;
	v9 =	vld [tilespmem:s18+$0x0]  }
0xa0: {  	v12 =	vld [tilespmem:s18+$0xFFFFFFF0]  }
0xa1: {  	v11 =	vld [tilespmem:s18+$0x20]  }
0xa2: {  	v14 =	vld [tilespmem:s18+$0x10];
	v7 =	vadd.f32 v7, v5  }
0xa3: {  	s23 =	simm.s32 $0x10;
	v13 =	vld [tilespmem:s18+$0x40];
	v5 =	vmov s17;
	v8 =	vadd.f32 v8, v10  }
0xa4: {  	v10 =	vld.idx.msk [tilespmem:v6+s23+$0x0 ss:$0x1], $0xffff;
	v7 =	vadd.f32 v9, v7  }
0xa5: {  	v9 =	vld [tilespmem:s18+$0x30];
	v8 =	vadd.f32 v12, v8  }
0xa6: {  	s22 =	simm.s32 $0x30;
	v15 =	vld.idx.msk [tilespmem:v6+s23+$0xFFFFFFF0 ss:$0x1], $0xffff;
	v7 =	vadd.f32 v11, v7  }
0xa7: {  	v8 =	vadd.f32 v14, v8;
	v14 =	vld.idx.msk [tilespmem:v6+s22+$0x0 ss:$0x1], $0xffff  }
0xa8: {  	v16 =	vld.idx.msk [tilespmem:v5+s23+$0xFFFFFFF0 ss:$0x1], $0xffff;
	v7 =	vadd.f32 v13, v7  }
0xa9: {  	v12 =	vimm.f32 $0.0e+00;
	v11 =	vld.idx.msk [tilespmem:v5+s23+$0x0 ss:$0x1], $0xffff;
	s23 =	sadd.s32 $0xA0, s18;
	v21 =	vadd.f32 v10, v1;
	v10 =	vimm.f32 $0.0e+00  }
0xaa: {  	v13 =	vimm.f32 $0.0e+00;
	v17 =	vld [tilespmem:s23+$0xFFFFFFC0];
	v18 =	vadd.f32 v9, v8;
	v19 =	vmul.f32 $2.000000030e-01, v7  }
0xab: {  	s24 =	simm.s32 $0x140;
	v20 =	vld [tilespmem:s23+$0xFFFFFFE0];
	v9 =	vimm.f32 $0.0e+00;
	v8 =	vimm.f32 $0.0e+00;
	v7 =	vimm.f32 $0.0e+00  }
.LBB2_10:
0xac: {  	p1 =	sne.s32 s24, $0x740;
	v22 =	vld [tilespmem:s23+$0xFFFFFFD0];
	v15 =	vadd.f32 v15, v0;
	v19 =	vadd.f32 v19, v3  }
0xad: {  	v13 =	vadd.f32 v16, v13;
	v23 =	vld [tilespmem:s23+$0x0];
	v16 =	vmax.f32 v21, $0.0e+00;
	v18 =	vmul.f32 $2.000000030e-01, v18  }
0xae: {  	v21 =	vld [tilespmem:s23+$0xFFFFFFB0];
	v15 =	vmax.f32 v15, $0.0e+00;
	v12 =	vadd.f32 v16, v12;
	v16 =	vmax.f32 v19, $0.0e+00  }
0xaf: {  	v24 =	vmov v14;
	v19 =	vld [tilespmem:s23+$0x20];
	v18 =	vadd.f32 v18, v2;
	v9 =	vadd.f32 v16, v9  }
0xb0: {  	v10 =	vadd.f32 v15, v10;
	v14 =	vld [tilespmem:s23+$0xFFFFFFF0];
	v16 =	vadd.f32 v20, v17  }
0xb1: {  	v8 =	vadd.f32 v11, v8;
	v17 =	vld [tilespmem:s23+$0x40];
	v11 =	vmax.f32 v18, $0.0e+00  }
0xb2: {  	v18 =	vld [tilespmem:s23+$0x10];
	v15 =	vadd.f32 v23, v16;
	v7 =	vadd.f32 v11, v7  }
0xb3: {  	v11 =	vadd.f32 v22, v21;
	v21 =	vld [tilespmem:s23+$0x30]  }
0xb4: {  	v19 =	vadd.f32 v19, v15;
	v15 =	vld.idx.msk [tilespmem:v6+s22+$0xFFFFFFF0 ss:$0x1], $0xffff  }
.Ltmp3:
0xb5: {  	v20 =	vadd.f32 v14, v11;
	v16 =	vld.idx.msk [tilespmem:v5+s22+$0xFFFFFFF0 ss:$0x1], $0xffff;
	(pc) =	sbr.rel @p1 .LBB2_10-.Ltmp3, $4  }
0xb6: {  	v19 =	vadd.f32 v17, v19;
	v11 =	vld.idx.msk [tilespmem:v5+s22+$0x0 ss:$0x1], $0xffff;
	s22 =	sshra.s32 s24, $0x2  }
0xb7: {  	s23 =	sadd.s32 $0xA0, s23;
	v14 =	vld.idx.msk [tilespmem:v6+s22+$0x0 ss:$0x1], $0xffff;
	v18 =	vadd.f32 v18, v20  }
0xb8: {  	v17 =	vld [tilespmem:s23+$0xFFFFFFC0];
	v19 =	vmul.f32 $2.000000030e-01, v19  }
0xb9: {  	s24 =	sadd.s32 $0x80, s24;
	v20 =	vld [tilespmem:s23+$0xFFFFFFE0];
	v18 =	vadd.f32 v21, v18;
	v21 =	vadd.f32 v24, v1  }
0xba: {  	_ =	sdelay $0x1  }
0xbb: {  	s20 =	sor.u32 $0x80, s20  }
0xbc: {  	s24 =	sshra.s32 s20, $0x2  }
0xbd: {  	v22 =	vld.idx.msk [tilespmem:v4+s24+$0x0 ss:$0x1], $0xffff;
	_ =	sdelay $0x2  }
0xbe: {  	v23 =	vld [tilespmem:s23+$0xFFFFFFD0]  }
0xbf: {  	v24 =	vld [tilespmem:s23+$0x0]  }
0xc0: {  	v25 =	vld [tilespmem:s23+$0xFFFFFFB0];
	v22 =	vadd.f32 v22, v0  }
0xc1: {  	v26 =	vld [tilespmem:s23+$0x20]  }
0xc2: {  	v62 =	vld [tilespmem:s23+$0x40];
	s20 =	sand.u32 $0x3FFFFF80, s20;
	v22 =	vmax.f32 v22, $0.0e+00  }
0xc3: {  	v17 =	vadd.f32 v20, v17;
	v20 =	vld [tilespmem:s23+$0xFFFFFFF0];
	[tilespmem:s20+$0x13E40] =	vst v22  }
0xc4: {  	v22 =	vld.idx.msk [tilespmem:v4+s24+$0x10 ss:$0x1], $0xffff  }
0xc5: {  	v63 =	vld [tilespmem:s23+$0x10];
	v13 =	vadd.f32 v16, v13;
	v15 =	vadd.f32 v15, v0  }
0xc6: {  	v19 =	vadd.f32 v19, v3;
	v6 =	vld.idx.msk [tilespmem:v6+s22+$0xFFFFFFF0 ss:$0x1], $0xffff;
	v21 =	vmax.f32 v21, $0.0e+00;
	v17 =	vadd.f32 v24, v17  }
0xc7: {  	v12 =	vadd.f32 v21, v12;
	v21 =	vld.idx.msk [tilespmem:v5+s22+$0xFFFFFFF0 ss:$0x1], $0xffff;
	v23 =	vadd.f32 v23, v25  }
0xc8: {  	v18 =	vmul.f32 $2.000000030e-01, v18;
	v8 =	vadd.f32 v11, v8;
	v5 =	vld.idx.msk [tilespmem:v5+s22+$0x0 ss:$0x1], $0xffff;
	v16 =	vadd.f32 v26, v17  }
0xc9: {  	v19 =	vmax.f32 v19, $0.0e+00;
	v17 =	vadd.f32 v20, v23;
	v20 =	vld [tilespmem:s23+$0x30];
	v22 =	vadd.f32 v22, v1  }
0xca: {  	v15 =	vmax.f32 v15, $0.0e+00;
	v14 =	vadd.f32 v14, v1;
	v18 =	vadd.f32 v18, v2  }
0xcb: {  	v9 =	vadd.f32 v19, v9;
	v16 =	vadd.f32 v62, v16;
	v22 =	vmax.f32 v22, $0.0e+00  }
0xcc: {  	v10 =	vadd.f32 v15, v10;
	v11 =	vmax.f32 v18, $0.0e+00;
	v17 =	vadd.f32 v63, v17;
	[tilespmem:s20+$0x13E50] =	vst v22  }
0xcd: {  	v7 =	vadd.f32 v11, v7;
	v5 =	vadd.f32 v5, v8;
	v15 =	vmul.f32 $2.000000030e-01, v16;
	v19 =	vld [tilespmem:s14+$0xFFFFFF80]  }
0xce: {  	v16 =	vadd.f32 v20, v17;
	v20 =	vadd.f32 v6, v0;
	v17 =	vld [tilespmem:s14+$0xFFFFFFA0]  }
0xcf: {  	v11 =	vadd.f32 v15, v3;
	v6 =	vadd.f32 v21, v13;
	v18 =	vld [tilespmem:s14+$0xFFFFFF90]  }
0xd0: {  	v13 =	vmax.f32 v14, $0.0e+00;
	v15 =	vmul.f32 $2.000000030e-01, v16;
	v20 =	vmax.f32 v20, $0.0e+00;
	v14 =	vld [tilespmem:s14+$0xFFFFFF70]  }
0xd1: {  	v8 =	vmul.f32 $6.666667010e-02, v6;
	v6 =	vmov s1;
	v10 =	vadd.f32 v20, v10;
	v16 =	vld [tilespmem:s14+$0xFFFFFFC0]  }
0xd2: {  	v12 =	vadd.f32 v13, v12;
	v11 =	vmax.f32 v11, $0.0e+00;
	v13 =	vadd.f32 v15, v2;
	v21 =	vld [tilespmem:s14+$0xFFFFFFB0]  }
0xd3: {  	v9 =	vadd.f32 v11, v9;
	v8 =	vadd.f32 v8, v2;
	v10 =	vmul.f32 $6.666667010e-02, v10;
	v15 =	vld [tilespmem:s14+$0xFFFFFFE0]  }
0xd4: {  	v22 =	vld [tilespmem:s14+$0xFFFFFFD0];
	v13 =	vmax.f32 v13, $0.0e+00;
	v11 =	vadd.f32 v17, v19;
	v19 =	vmul.f32 $6.666667010e-02, v5  }
0xd5: {  	s24 =	simm.s32 $0x0;
	v7 =	vadd.f32 v13, v7;
	v17 =	vld [tilespmem:s14+$0x0];
	v5 =	vmov s10;
	v14 =	vadd.f32 v18, v14  }
0xd6: {  	v8 =	vmax.f32 v8, $0.0e+00;
	v23 =	vld.idx.msk [tilespmem:v6+s24+$0x0 ss:$0x1], $0xffff;
	v11 =	vadd.f32 v16, v11;
	v16 =	vadd.f32 v19, v3  }
0xd7: {  	[tilespmem:s21+$0x13E60] =	vst v8;
	v18 =	vld [tilespmem:s14+$0xFFFFFFF0];
	v14 =	vadd.f32 v21, v14  }
0xd8: {  	s22 =	simm.s32 $0x20;
	[tilespmem:s21+$0x13E80] =	vst v10;
	v7 =	vmul.f32 $6.666667010e-02, v7;
	v11 =	vadd.f32 v15, v11;
	v8 =	vmax.f32 v16, $0.0e+00;
	v15 =	vld.idx.msk [tilespmem:v6+s24+$0xFFFFFFF0 ss:$0x1], $0xffff  }
0xd9: {  	v13 =	vadd.f32 v22, v14;
	v14 =	vld.idx.msk [tilespmem:v6+s22+$0x0 ss:$0x1], $0xffff;
	[tilespmem:s21+$0x13E70] =	vst v8;
	v8 =	vmul.f32 $6.666667010e-02, v12  }
0xda: {  	[tilespmem:s21+$0x13EA0] =	vst v7;
	v7 =	vimm.f32 $0.0e+00;
	v16 =	vld.idx.msk [tilespmem:v5+s24+$0xFFFFFFF0 ss:$0x1], $0xffff;
	v12 =	vadd.f32 v17, v11  }
0xdb: {  	s23 =	sadd.s32 $0xA0, s14;
	v21 =	vadd.f32 v23, v1;
	v10 =	vld.idx.msk [tilespmem:v5+s24+$0x0 ss:$0x1], $0xffff;
	v11 =	vimm.f32 $0.0e+00;
	[tilespmem:s21+$0x13E90] =	vst v8;
	v8 =	vmul.f32 $6.666667010e-02, v9  }
0xdc: {  	v19 =	vadd.f32 v18, v13;
	v17 =	vld [tilespmem:s23+$0xFFFFFF80];
	v13 =	vimm.f32 $0.0e+00;
	v20 =	vmul.f32 $2.000000030e-01, v12  }
0xdd: {  	v18 =	vld [tilespmem:s23+$0xFFFFFFA0];
	v9 =	vimm.f32 $0.0e+00;
	v12 =	vimm.f32 $0.0e+00;
	[tilespmem:s21+$0x13EB0] =	vst v8;
	s21 =	simm.s32 $0x100;
	v8 =	vimm.f32 $0.0e+00  }
.LBB2_12:
0xde: {  	p1 =	sne.s32 s21, $0x700;
	v22 =	vld [tilespmem:s23+$0xFFFFFF90];
	v15 =	vadd.f32 v15, v0;
	v20 =	vadd.f32 v20, v3  }
0xdf: {  	v11 =	vadd.f32 v16, v11;
	v23 =	vld [tilespmem:s23+$0xFFFFFFC0];
	v16 =	vmax.f32 v21, $0.0e+00;
	v19 =	vmul.f32 $2.000000030e-01, v19  }
0xe0: {  	v21 =	vld [tilespmem:s23+$0xFFFFFF70];
	v15 =	vmax.f32 v15, $0.0e+00;
	v13 =	vadd.f32 v16, v13;
	v16 =	vmax.f32 v20, $0.0e+00  }
0xe1: {  	v24 =	vmov v14;
	v20 =	vld [tilespmem:s23+$0xFFFFFFE0];
	v19 =	vadd.f32 v19, v2;
	v9 =	vadd.f32 v16, v9  }
0xe2: {  	v12 =	vadd.f32 v15, v12;
	v14 =	vld [tilespmem:s23+$0xFFFFFFB0];
	v16 =	vadd.f32 v18, v17  }
0xe3: {  	v7 =	vadd.f32 v10, v7;
	v17 =	vld [tilespmem:s23+$0x0];
	v10 =	vmax.f32 v19, $0.0e+00  }
0xe4: {  	v18 =	vld [tilespmem:s23+$0xFFFFFFD0];
	v15 =	vadd.f32 v23, v16;
	v8 =	vadd.f32 v10, v8  }
0xe5: {  	v10 =	vadd.f32 v22, v21;
	v19 =	vld [tilespmem:s23+$0xFFFFFFF0]  }
0xe6: {  	v20 =	vadd.f32 v20, v15;
	v15 =	vld.idx.msk [tilespmem:v6+s22+$0xFFFFFFF0 ss:$0x1], $0xffff  }
.Ltmp4:
0xe7: {  	v21 =	vadd.f32 v14, v10;
	v16 =	vld.idx.msk [tilespmem:v5+s22+$0xFFFFFFF0 ss:$0x1], $0xffff;
	(pc) =	sbr.rel @p1 .LBB2_12-.Ltmp4, $4  }
0xe8: {  	v20 =	vadd.f32 v17, v20;
	v10 =	vld.idx.msk [tilespmem:v5+s22+$0x0 ss:$0x1], $0xffff;
	s22 =	sshra.s32 s21, $0x2  }
0xe9: {  	s23 =	sadd.s32 $0xA0, s23;
	v14 =	vld.idx.msk [tilespmem:v6+s22+$0x0 ss:$0x1], $0xffff;
	v21 =	vadd.f32 v18, v21  }
0xea: {  	v17 =	vld [tilespmem:s23+$0xFFFFFF80];
	v20 =	vmul.f32 $2.000000030e-01, v20  }
0xeb: {  	s21 =	sadd.s32 $0x80, s21;
	v18 =	vld [tilespmem:s23+$0xFFFFFFA0];
	v19 =	vadd.f32 v19, v21;
	v21 =	vadd.f32 v24, v1  }
0xec: {  	v22 =	vld [tilespmem:s23+$0xFFFFFF90]  }
0xed: {  	v23 =	vld [tilespmem:s23+$0xFFFFFFC0]  }
0xee: {  	v24 =	vld [tilespmem:s23+$0xFFFFFF70]  }
0xef: {  	v25 =	vld [tilespmem:s23+$0xFFFFFFE0]  }
0xf0: {  	v26 =	vld [tilespmem:s23+$0xFFFFFFB0]  }
0xf1: {  	v15 =	vadd.f32 v15, v0;
	v53 =	vld [tilespmem:s23+$0x0]  }
0xf2: {  	v11 =	vadd.f32 v16, v11;
	v20 =	vadd.f32 v20, v3;
	v54 =	vld [tilespmem:s23+$0xFFFFFFD0];
	v21 =	vmax.f32 v21, $0.0e+00  }
0xf3: {  	v57 =	vld.idx.msk [tilespmem:v5+s22+$0xFFFFFFF0 ss:$0x1], $0xffff;
	v19 =	vmul.f32 $2.000000030e-01, v19;
	v7 =	vadd.f32 v10, v7;
	v13 =	vadd.f32 v21, v13  }
0xf4: {  	v6 =	vld.idx.msk [tilespmem:v6+s22+$0xFFFFFFF0 ss:$0x1], $0xffff;
	v14 =	vadd.f32 v14, v1;
	v17 =	vadd.f32 v18, v17  }
0xf5: {  	v5 =	vld.idx.msk [tilespmem:v5+s22+$0x0 ss:$0x1], $0xffff;
	v20 =	vmax.f32 v20, $0.0e+00;
	v19 =	vadd.f32 v19, v2;
	v22 =	vadd.f32 v22, v24  }
0xf6: {  	v55 =	vld [tilespmem:s23+$0xFFFFFFF0];
	v15 =	vmax.f32 v15, $0.0e+00;
	v9 =	vadd.f32 v20, v9;
	v17 =	vadd.f32 v23, v17  }
0xf7: {  	v12 =	vadd.f32 v15, v12;
	v56 =	vadd.f32 v26, v22  }
0xf8: {  	v11 =	vadd.f32 v57, v11;
	v17 =	vadd.f32 v25, v17  }
0xf9: {  	v6 =	vadd.f32 v6, v0;
	v18 =	vadd.f32 v54, v56  }
0xfa: {  	v58 =	vmax.f32 v19, $0.0e+00;
	v5 =	vadd.f32 v5, v7;
	v59 =	vadd.f32 v53, v17  }
0xfb: {  	v7 =	vmax.f32 v14, $0.0e+00;
	v11 =	vmul.f32 $6.666667010e-02, v11;
	v60 =	vadd.f32 v55, v18  }
0xfc: {  	v8 =	vadd.f32 v58, v8;
	v5 =	vmul.f32 $6.666667010e-02, v5;
	v10 =	vmul.f32 $2.000000030e-01, v59  }
0xfd: {  	v7 =	vadd.f32 v7, v13;
	v11 =	vadd.f32 v11, v2;
	v61 =	vmul.f32 $2.000000030e-01, v60  }
0xfe: {  	v6 =	vmax.f32 v6, $0.0e+00;
	v5 =	vadd.f32 v5, v3;
	v10 =	vadd.f32 v10, v3  }
0xff: {  	v6 =	vadd.f32 v6, v12;
	v62 =	vadd.f32 v61, v2  }
0x100: {  	v11 =	vmax.f32 v11, $0.0e+00;
	v5 =	vmax.f32 v5, $0.0e+00;
	v10 =	vmax.f32 v10, $0.0e+00  }
0x101: {  	p1 =	slt.u32 s19, $0x6;
	[tilespmem:s20+$0x13E70] =	vst v5;
	v5 =	vmul.f32 $6.666667010e-02, v7;
	v63 =	vmax.f32 v62, $0.0e+00;
	v9 =	vadd.f32 v10, v9  }
.Ltmp5:
0x102: {  	v6 =	vmul.f32 $6.666667010e-02, v6;
	[tilespmem:s20+$0x13E60] =	vst v11;
	v8 =	vadd.f32 v63, v8;
	(pc) =	sbr.rel @p1 .LBB2_9-.Ltmp5, $4  }
0x103: {  	[tilespmem:s20+$0x13E90] =	vst v5;
	v5 =	vmul.f32 $6.666667010e-02, v9  }
0x104: {  	s21 =	sadd.s32 $0x2, s19;
	s15 =	sadd.s32 $0x3C0, s15;
	[tilespmem:s20+$0x13E80] =	vst v6;
	v6 =	vmul.f32 $6.666667010e-02, v8  }
0x105: {  	s17 =	sadd.s32 $0x3C0, s17;
	s18 =	sadd.s32 $0x12C0, s18;
	s1 =	sadd.s32 $0x3C0, s1;
	[tilespmem:s20+$0x13EB0] =	vst v5  }
0x106: {  	s10 =	sadd.s32 $0x3C0, s10;
	s14 =	sadd.s32 $0x12C0, s14;
	s19 =	smov.u32 s21;
	[tilespmem:s20+$0x13EA0] =	vst v6  }
0x107: {  	s0 =	sshll.u32 s0, $0x7;
	p1 =	sne.s32 s2, $0x20  }
.Ltmp6:
0x108: {  	s0 =	sadd.s32 s0, s8;
	(pc) =	sbr.rel @p1 .LBB2_8-.Ltmp6, $4  }
0x109: {  	[hbm4b:s0+s3] =	stream.linear.scatter [tilespmem:s30], [sflag:$0x3], $0x400, $0x38;
	[tilespmem:$0x14240] =	vst v63  }
0x10a: {  	_ =	swait.ge [sflag:s11], $0x400  }
0x10b: {  	[sflag:s11] =	ssyncset.done $0x0  }
0x10c: {  	p0 =	por !p0, !p0;
	s0 =	smov.u32 s2;
	[sflag:s11] =	ssyncadd.s32 $0xFFFFFC00  }
0x10d: {  	s31 =	sadd.s32 $0x1, s31  }
0x10e: {  	p0 =	sne.s32 s31, s9  }
.Ltmp7:
0x10f: {  	_ = 	snop;
	(pc) =	sbr.rel @p0 .LBB2_1-.Ltmp7, $1  }
0x110: {  	_ =	sdelay $0x3  }
0x111: {  	_ =	sfence.sel $0x180000  }
0x112: {  	[bflag:$0x0] =	sbarrier.arrive $0xFFFF  }
0x113: {  	_ =	strace $0x90000047  }
0x114: {  	s0 =	stileid.u32;
	[bflag:$0x2] =	sbarrier.arrive $0xFFFF  }
0x115: {  	p0 =	sne.s32 s0, $0x0;
	s0 =	rddreg [dreg:$0x6]  }
0x116: {  	s0 =	sadd.s32 @!p0 $0x100000, s0  }
0x117: {  	[sflag:s0] =	ssyncadd.tile.s32 @!p0 $0x1;
	_ =	shalt  }
.Lfunc_end2:
_tile_overlayer_lowered:
.L_overlay_start_2:
0x118: {  	(tag) =	ssettag $0x2  }
0x119: {  	s0 =	rddreg [dreg:$0x0];
	s2 =	stileid.u32  }
0x11a: {  	s1 =	rddreg [dreg:$0x1];
	p0 =	sne.s32 s2, $0x0  }
0x11b: {  	s3 =	rddreg [dreg:$0x2];
	[bflag:$0x3] =	sbarrier.arrive $0xFFFF;
	s2 =	simm.s32 @!p0 $0x1C03  }
0x11c: {  	[timem:s3], [sflag:s2] =	dma.local @!p0 [hbm:s0], s1  }
0x11d: {  	s0 =	simm.s32 @!p0 $0x3  }
0x11e: {  	_ =	swait.ge @!p0 [sflag:s0], s1  }
0x11f: {  	s1 =	ssub.s32 @!p0 $0x0, s1;
	[sflag:s0] =	ssyncset.done @!p0 $0x0  }
0x120: {  	[sflag:s0] =	ssyncadd.s32 @!p0 s1  }
0x121: {  	[bflag:$0x3] =	sbarrier.arrive $0xFFFF  }
0x122: {  	_ =	shalt  }

</sc_bundles>
